<compile_context>
chip_gen: v7x
topology: tpu7x:2x2x1
jax: 0.10.2.dev20260603
libtpu: 0.0.44.dev20260713+nightly
codegen_flags: <defaults>
</compile_context>

<pallas_src>
import functools

import jax
import jax.numpy as jnp
from jax import lax
from jax.experimental import pallas as pl
from jax.experimental.pallas import tpu as pltpu
from jax.experimental.pallas import tpu_sc as plsc

BATCH = 4096
MAXLEN = 200
EMBED = 64
LANES = 16

_info = plsc.get_sparse_core_info()
NC, NS = _info.num_cores, _info.num_subcores
NW = NC * NS
BPW = BATCH // NW
VPR = EMBED // LANES


def _body(x_hbm, pos_hbm, tok_hbm, out_hbm, idx_v, pos_v, rows0, rows1, g0, g1):
    w = lax.axis_index("s") * NC + lax.axis_index("c")
    pltpu.sync_copy(x_hbm.at[w], idx_v)
    pltpu.sync_copy(pos_hbm, pos_v)
    rows = (rows0, rows1)
    sems = (g0, g1)

    def gather_start(t, b):
        pltpu.make_async_copy(tok_hbm.at[idx_v.at[t]], rows[b], sems[b]).start()

    def gather_wait(b):
        pltpu.make_async_copy(tok_hbm.at[idx_v.at[0]], rows[b], sems[b]).wait()

    def add_pos(t, b):
        rbuf = rows[b]
        pv = [pos_v[t, pl.ds(k * LANES, LANES)] for k in range(VPR)]

        def row(r, carry):
            for k in range(VPR):
                sl = pl.ds(k * LANES, LANES)
                rbuf[r, sl] = rbuf[r, sl] + pv[k]
            return carry

        lax.fori_loop(0, BPW, row, 0, unroll=4)

    def store(t, b):
        pltpu.sync_copy(rows[b], out_hbm.at[w, :, t])

    gather_start(0, 0)

    def outer(i, carry):
        t0 = i * 2
        gather_start(t0 + 1, 1)
        gather_wait(0)
        add_pos(t0, 0)
        store(t0, 0)

        @pl.when(t0 + 2 < MAXLEN)
        def _():
            gather_start(t0 + 2, 0)

        gather_wait(1)
        add_pos(t0 + 1, 1)
        store(t0 + 1, 1)
        return carry

    lax.fori_loop(0, MAXLEN // 2, outer, 0)


@jax.jit
def kernel(x, token_table, pos_table):
    B, T = x.shape
    V, D = token_table.shape
    assert (B, T, D) == (BATCH, MAXLEN, EMBED)
    x32 = x.astype(jnp.int32).reshape(NW, BPW, T).transpose(0, 2, 1)

    run = pl.kernel(
        _body,
        out_type=jax.ShapeDtypeStruct((NW, BPW, T, D), jnp.float32),
        mesh=plsc.VectorSubcoreMesh(core_axis_name="c", subcore_axis_name="s"),
        compiler_params=pltpu.CompilerParams(use_tc_tiling_on_sc=False),
        scratch_types=[
            pltpu.VMEM((T, BPW), jnp.int32),
            pltpu.VMEM((T, EMBED), jnp.float32),
            pltpu.VMEM((BPW, EMBED), jnp.float32),
            pltpu.VMEM((BPW, EMBED), jnp.float32),
            pltpu.SemaphoreType.DMA,
            pltpu.SemaphoreType.DMA,
        ],
    )
    out = run(x32, pos_table, token_table)
    return out.reshape(B, T, D)

# --- scband reference (transcript-rebuilt; emitter-appended) ---
"""Pipeline reference for scband-token-and-position-embedding-40793599377472 (READ-ONLY COPY).

The authoritative reference and input builder live on the scoring server;
editing this copy changes nothing except your own understanding.
"""

import jax, jax.numpy as jnp
import numpy as np

VOCAB = 1000000
MAXLEN = 200
EMBED = 64
BATCH = 4096

def setup_inputs(seed: int = 0) -> dict:
    key = jax.random.key(seed)
    k1, k2, k3 = jax.random.split(key, 3)
    x = jax.random.randint(k1, (BATCH, MAXLEN), 0, VOCAB, dtype=jnp.int64 if jax.config.jax_enable_x64 else jnp.int32)
    token_table = jax.random.normal(k2, (VOCAB, EMBED), dtype=jnp.float32) * 0.05
    pos_table = jax.random.normal(k3, (MAXLEN, EMBED), dtype=jnp.float32) * 0.05
    return {"x": x, "token_table": token_table, "pos_table": pos_table}

def reference(x, token_table, pos_table):
    # TokenAndPositionEmbedding.call:
    # maxlen = x.shape[-1]; positions = range(maxlen); pos = pos_emb(positions)
    # tok = token_emb(x); return tok + pos
    maxlen = x.shape[-1]
    positions = jnp.arange(maxlen)
    pos = jnp.take(pos_table, positions, axis=0)          # [maxlen, embed]
    tok = jnp.take(token_table, x, axis=0)                # [B, maxlen, embed]
    return tok + pos[None, :, :]

if __name__ == "__main__":
    import jax
    _d = setup_inputs()
    print(jax.jit(kernel)(*tuple(_d.values())))

</pallas_src>

<mosaic_0001>
#map = affine_map<(d0, d1) -> (0, 0, 0)>
#map1 = affine_map<(d0, d1) -> (0, 0)>
#map2 = affine_map<(d0, d1) -> (0, 0, 0, 0)>
module attributes {stable_mosaic.version = 14 : i64} {
  func.func @_body(%arg0: i32, %arg1: i32, %arg2: memref<32x200x128xi32, #tpu.memory_space<hbm>>, %arg3: memref<200x64xf32, #tpu.memory_space<hbm>>, %arg4: memref<1000000x64xf32, #tpu.memory_space<hbm>>, %arg5: memref<32x128x200x64xf32, #tpu.memory_space<hbm>>, %arg6: memref<200x128xi32, #tpu.memory_space<vmem>>, %arg7: memref<200x64xf32, #tpu.memory_space<vmem>>, %arg8: memref<128x64xf32, #tpu.memory_space<vmem>>, %arg9: memref<128x64xf32, #tpu.memory_space<vmem>>, %arg10: memref<!tpu.dma_semaphore, #tpu.memory_space<semaphore_mem>>, %arg11: memref<!tpu.dma_semaphore, #tpu.memory_space<semaphore_mem>>) attributes {dimension_semantics = [#tpu.dimension_semantics<core_parallel>, #tpu.dimension_semantics<subcore_parallel>], iteration_bounds = array<i64: 2, 16>, scalar_prefetch = 0 : i64, scratch_operands = 6 : i64, tpu.core_type = #tpu.core_type<sc_vector_subcore>, window_params = [{transform_indices = #map}, {transform_indices = #map1}, {transform_indices = #map1}, {transform_indices = #map2}]} {
    %mul3A = arith.constant 2 : i32
    %mul3A_0 = arith.muli %arg1, %mul3A : i32
    %add3A = arith.addi %mul3A_0, %arg0 : i32
    "tpu.region"() ({
      %run_scoped3A = tpu.sem_alloc : memref<!tpu.dma_semaphore, #tpu.memory_space<semaphore_mem>>
      %dma_start3A_12 = arith.constant 0 : i32
      %dma_start3A_13 = arith.constant 0 : i32
      %dma_start3A_14 = tpu.memref_slice %arg2[%add3A, %dma_start3A_12, %dma_start3A_13] : memref<32x200x128xi32, #tpu.memory_space<hbm>> -> memref<1x200x128xi32, #tpu.memory_space<hbm>>
      %dma_start3A_15 = tpu.memref_squeeze %dma_start3A_14 : memref<1x200x128xi32, #tpu.memory_space<hbm>> -> memref<200x128xi32, #tpu.memory_space<hbm>>
      %dma_start3A_16 = arith.constant 0 : i32
      %dma_start3A_17 = arith.constant 0 : i32
      %dma_start3A_18 = tpu.memref_slice %arg2[%add3A, %dma_start3A_16, %dma_start3A_17] : memref<32x200x128xi32, #tpu.memory_space<hbm>> -> memref<1x200x128xi32, #tpu.memory_space<hbm>>
      %dma_start3A_19 = tpu.memref_squeeze %dma_start3A_18 : memref<1x200x128xi32, #tpu.memory_space<hbm>> -> memref<200x128xi32, #tpu.memory_space<hbm>>
      tpu.enqueue_dma source(%dma_start3A_19 : memref<200x128xi32, #tpu.memory_space<hbm>>) target(%arg6 : memref<200x128xi32, #tpu.memory_space<vmem>>) target_semaphore(%run_scoped3A : memref<!tpu.dma_semaphore, #tpu.memory_space<semaphore_mem>>)
      %dma_wait3A = arith.constant 0 : i32
      %dma_wait3A_20 = arith.constant 0 : i32
      %dma_wait3A_21 = tpu.memref_slice %arg2[%add3A, %dma_wait3A, %dma_wait3A_20] : memref<32x200x128xi32, #tpu.memory_space<hbm>> -> memref<1x200x128xi32, #tpu.memory_space<hbm>>
      %dma_wait3A_22 = tpu.memref_squeeze %dma_wait3A_21 : memref<1x200x128xi32, #tpu.memory_space<hbm>> -> memref<200x128xi32, #tpu.memory_space<hbm>>
      %dma_wait3A_23 = arith.constant 0 : i32
      %dma_wait3A_24 = arith.constant 0 : i32
      %dma_wait3A_25 = tpu.memref_slice %arg2[%add3A, %dma_wait3A_23, %dma_wait3A_24] : memref<32x200x128xi32, #tpu.memory_space<hbm>> -> memref<1x200x128xi32, #tpu.memory_space<hbm>>
      %dma_wait3A_26 = tpu.memref_squeeze %dma_wait3A_25 : memref<1x200x128xi32, #tpu.memory_space<hbm>> -> memref<200x128xi32, #tpu.memory_space<hbm>>
      tpu.wait_dma2 semaphore(%run_scoped3A : memref<!tpu.dma_semaphore, #tpu.memory_space<semaphore_mem>>) src(%dma_wait3A_26 : memref<200x128xi32, #tpu.memory_space<hbm>>) dst(%arg6 : memref<200x128xi32, #tpu.memory_space<vmem>>)
      tpu.yield
    }) : () -> ()
    "tpu.region"() ({
      %run_scoped3A = tpu.sem_alloc : memref<!tpu.dma_semaphore, #tpu.memory_space<semaphore_mem>>
      tpu.enqueue_dma source(%arg3 : memref<200x64xf32, #tpu.memory_space<hbm>>) target(%arg7 : memref<200x64xf32, #tpu.memory_space<vmem>>) target_semaphore(%run_scoped3A : memref<!tpu.dma_semaphore, #tpu.memory_space<semaphore_mem>>)
      tpu.wait_dma2 semaphore(%run_scoped3A : memref<!tpu.dma_semaphore, #tpu.memory_space<semaphore_mem>>) src(%arg3 : memref<200x64xf32, #tpu.memory_space<hbm>>) dst(%arg7 : memref<200x64xf32, #tpu.memory_space<vmem>>)
      tpu.yield
    }) : () -> ()
    %dma_start3A = arith.constant 0 : i32
    %dma_start3A_1 = arith.constant 0 : i32
    %dma_start3A_2 = tpu.memref_slice %arg6[%dma_start3A, %dma_start3A_1] : memref<200x128xi32, #tpu.memory_space<vmem>> -> memref<1x128xi32, #tpu.memory_space<vmem>>
    %dma_start3A_3 = tpu.memref_squeeze %dma_start3A_2 : memref<1x128xi32, #tpu.memory_space<vmem>> -> memref<128xi32, #tpu.memory_space<vmem>>
    %dma_start3A_4 = arith.constant 0 : i32
    %dma_start3A_5 = arith.constant 0 : i32
    %dma_start3A_6 = tpu.memref_slice %arg4[%dma_start3A_4, %dma_start3A_5] : memref<1000000x64xf32, #tpu.memory_space<hbm>> -> memref<1000000x64xf32, #tpu.memory_space<hbm>>
    tpu.enqueue_indirect_dma source(%dma_start3A_6 : memref<1000000x64xf32, #tpu.memory_space<hbm>>) target(%arg8 : memref<128x64xf32, #tpu.memory_space<vmem>>) offsets(%dma_start3A_3 : memref<128xi32, #tpu.memory_space<vmem>>) semaphore(%arg10 : memref<!tpu.dma_semaphore, #tpu.memory_space<semaphore_mem>>)
    %scan3A = arith.constant 0 : i32
    %scan3A_7 = arith.constant 0 : i32
    %scan3A_8 = arith.constant 100 : i32
    %scan3A_9 = arith.addi %scan3A_7, %scan3A_8 : i32
    %scan3A_10 = arith.constant 1 : i32
    scf.for %scan3A_12 = %scan3A_7 to %scan3A_9 step %scan3A_10  : i32 {
      %mul3A_13 = arith.constant 2 : i32
      %mul3A_14 = arith.muli %scan3A_12, %mul3A_13 : i32
      %add3A_15 = arith.constant 1 : i32
      %add3A_16 = arith.addi %mul3A_14, %add3A_15 : i32
      %dma_start3A_17 = arith.constant 0 : i32
      %dma_start3A_18 = tpu.memref_slice %arg6[%add3A_16, %dma_start3A_17] : memref<200x128xi32, #tpu.memory_space<vmem>> -> memref<1x128xi32, #tpu.memory_space<vmem>>
      %dma_start3A_19 = tpu.memref_squeeze %dma_start3A_18 : memref<1x128xi32, #tpu.memory_space<vmem>> -> memref<128xi32, #tpu.memory_space<vmem>>
      %dma_start3A_20 = arith.constant 0 : i32
      %dma_start3A_21 = arith.constant 0 : i32
      %dma_start3A_22 = tpu.memref_slice %arg4[%dma_start3A_20, %dma_start3A_21] : memref<1000000x64xf32, #tpu.memory_space<hbm>> -> memref<1000000x64xf32, #tpu.memory_space<hbm>>
      tpu.enqueue_indirect_dma source(%dma_start3A_22 : memref<1000000x64xf32, #tpu.memory_space<hbm>>) target(%arg9 : memref<128x64xf32, #tpu.memory_space<vmem>>) offsets(%dma_start3A_19 : memref<128xi32, #tpu.memory_space<vmem>>) semaphore(%arg11 : memref<!tpu.dma_semaphore, #tpu.memory_space<semaphore_mem>>)
      %dma_wait3A = arith.constant 0 : i32
      %dma_wait3A_23 = arith.constant 0 : i32
      %dma_wait3A_24 = tpu.memref_slice %arg6[%dma_wait3A, %dma_wait3A_23] : memref<200x128xi32, #tpu.memory_space<vmem>> -> memref<1x128xi32, #tpu.memory_space<vmem>>
      %dma_wait3A_25 = tpu.memref_squeeze %dma_wait3A_24 : memref<1x128xi32, #tpu.memory_space<vmem>> -> memref<128xi32, #tpu.memory_space<vmem>>
      %dma_wait3A_26 = arith.constant 0 : i32
      %dma_wait3A_27 = arith.constant 0 : i32
      %dma_wait3A_28 = tpu.memref_slice %arg4[%dma_wait3A_26, %dma_wait3A_27] : memref<1000000x64xf32, #tpu.memory_space<hbm>> -> memref<1000000x64xf32, #tpu.memory_space<hbm>>
      tpu.wait_indirect_dma semaphore(%arg10 : memref<!tpu.dma_semaphore, #tpu.memory_space<semaphore_mem>>) src(%dma_wait3A_28 : memref<1000000x64xf32, #tpu.memory_space<hbm>>) dst(%arg8 : memref<128x64xf32, #tpu.memory_space<vmem>>)
      %get3A = arith.index_cast %mul3A_14 : i32 to index
      %get3A_29 = arith.constant 0 : index
      %get3A_30 = tpu.vector_load %arg7[%get3A, %get3A_29] {strides = array<i32>} : memref<200x64xf32, #tpu.memory_space<vmem>>, vector<1x16xf32>,
      %get3A_31 = vector.shape_cast %get3A_30 : vector<1x16xf32> to vector<16xf32>
      %get3A_32 = arith.index_cast %mul3A_14 : i32 to index
      %get3A_33 = arith.constant 16 : index
      %get3A_34 = tpu.vector_load %arg7[%get3A_32, %get3A_33] {strides = array<i32>} : memref<200x64xf32, #tpu.memory_space<vmem>>, vector<1x16xf32>,
      %get3A_35 = vector.shape_cast %get3A_34 : vector<1x16xf32> to vector<16xf32>
      %get3A_36 = arith.index_cast %mul3A_14 : i32 to index
      %get3A_37 = arith.constant 32 : index
      %get3A_38 = tpu.vector_load %arg7[%get3A_36, %get3A_37] {strides = array<i32>} : memref<200x64xf32, #tpu.memory_space<vmem>>, vector<1x16xf32>,
      %get3A_39 = vector.shape_cast %get3A_38 : vector<1x16xf32> to vector<16xf32>
      %get3A_40 = arith.index_cast %mul3A_14 : i32 to index
      %get3A_41 = arith.constant 48 : index
      %get3A_42 = tpu.vector_load %arg7[%get3A_40, %get3A_41] {strides = array<i32>} : memref<200x64xf32, #tpu.memory_space<vmem>>, vector<1x16xf32>,
      %get3A_43 = vector.shape_cast %get3A_42 : vector<1x16xf32> to vector<16xf32>
      %scan3A_44 = arith.constant 0 : i32
      %scan3A_45 = arith.constant 0 : i32
      %scan3A_46 = arith.constant 128 : i32
      %scan3A_47 = arith.addi %scan3A_45, %scan3A_46 : i32
      %scan3A_48 = arith.constant 4 : i32
      scf.for %scan3A_87 = %scan3A_45 to %scan3A_47 step %scan3A_48  : i32 {
        %get3A_88 = arith.index_cast %scan3A_87 : i32 to index
        %get3A_89 = arith.constant 0 : index
        %get3A_90 = tpu.vector_load %arg8[%get3A_88, %get3A_89] {strides = array<i32>} : memref<128x64xf32, #tpu.memory_space<vmem>>, vector<1x16xf32>,
        %get3A_91 = vector.shape_cast %get3A_90 : vector<1x16xf32> to vector<16xf32>
        %add3A_92 = arith.addf %get3A_91, %get3A_31 : vector<16xf32>
        %swap3A = arith.index_cast %scan3A_87 : i32 to index
        %swap3A_93 = arith.constant 0 : index
        %swap3A_94 = tpu.vector_load %arg8[%swap3A, %swap3A_93] {strides = array<i32>} : memref<128x64xf32, #tpu.memory_space<vmem>>, vector<1x16xf32>,
        %swap3A_95 = vector.shape_cast %swap3A_94 : vector<1x16xf32> to vector<16xf32>
        %swap3A_96 = vector.shape_cast %add3A_92 : vector<16xf32> to vector<1x16xf32>
        tpu.vector_store %arg8[%swap3A, %swap3A_93], %swap3A_96 {strides = array<i32>} : memref<128x64xf32, #tpu.memory_space<vmem>>, vector<1x16xf32>,
        %get3A_97 = arith.index_cast %scan3A_87 : i32 to index
        %get3A_98 = arith.constant 16 : index
        %get3A_99 = tpu.vector_load %arg8[%get3A_97, %get3A_98] {strides = array<i32>} : memref<128x64xf32, #tpu.memory_space<vmem>>, vector<1x16xf32>,
        %get3A_100 = vector.shape_cast %get3A_99 : vector<1x16xf32> to vector<16xf32>
        %add3A_101 = arith.addf %get3A_100, %get3A_35 : vector<16xf32>
        %swap3A_102 = arith.index_cast %scan3A_87 : i32 to index
        %swap3A_103 = arith.constant 16 : index
        %swap3A_104 = tpu.vector_load %arg8[%swap3A_102, %swap3A_103] {strides = array<i32>} : memref<128x64xf32, #tpu.memory_space<vmem>>, vector<1x16xf32>,
        %swap3A_105 = vector.shape_cast %swap3A_104 : vector<1x16xf32> to vector<16xf32>
        %swap3A_106 = vector.shape_cast %add3A_101 : vector<16xf32> to vector<1x16xf32>
        tpu.vector_store %arg8[%swap3A_102, %swap3A_103], %swap3A_106 {strides = array<i32>} : memref<128x64xf32, #tpu.memory_space<vmem>>, vector<1x16xf32>,
        %get3A_107 = arith.index_cast %scan3A_87 : i32 to index
        %get3A_108 = arith.constant 32 : index
        %get3A_109 = tpu.vector_load %arg8[%get3A_107, %get3A_108] {strides = array<i32>} : memref<128x64xf32, #tpu.memory_space<vmem>>, vector<1x16xf32>,
        %get3A_110 = vector.shape_cast %get3A_109 : vector<1x16xf32> to vector<16xf32>
        %add3A_111 = arith.addf %get3A_110, %get3A_39 : vector<16xf32>
        %swap3A_112 = arith.index_cast %scan3A_87 : i32 to index
        %swap3A_113 = arith.constant 32 : index
        %swap3A_114 = tpu.vector_load %arg8[%swap3A_112, %swap3A_113] {strides = array<i32>} : memref<128x64xf32, #tpu.memory_space<vmem>>, vector<1x16xf32>,
        %swap3A_115 = vector.shape_cast %swap3A_114 : vector<1x16xf32> to vector<16xf32>
        %swap3A_116 = vector.shape_cast %add3A_111 : vector<16xf32> to vector<1x16xf32>
        tpu.vector_store %arg8[%swap3A_112, %swap3A_113], %swap3A_116 {strides = array<i32>} : memref<128x64xf32, #tpu.memory_space<vmem>>, vector<1x16xf32>,
        %get3A_117 = arith.index_cast %scan3A_87 : i32 to index
        %get3A_118 = arith.constant 48 : index
        %get3A_119 = tpu.vector_load %arg8[%get3A_117, %get3A_118] {strides = array<i32>} : memref<128x64xf32, #tpu.memory_space<vmem>>, vector<1x16xf32>,
        %get3A_120 = vector.shape_cast %get3A_119 : vector<1x16xf32> to vector<16xf32>
        %add3A_121 = arith.addf %get3A_120, %get3A_43 : vector<16xf32>
        %swap3A_122 = arith.index_cast %scan3A_87 : i32 to index
        %swap3A_123 = arith.constant 48 : index
        %swap3A_124 = tpu.vector_load %arg8[%swap3A_122, %swap3A_123] {strides = array<i32>} : memref<128x64xf32, #tpu.memory_space<vmem>>, vector<1x16xf32>,
        %swap3A_125 = vector.shape_cast %swap3A_124 : vector<1x16xf32> to vector<16xf32>
        %swap3A_126 = vector.shape_cast %add3A_121 : vector<16xf32> to vector<1x16xf32>
        tpu.vector_store %arg8[%swap3A_122, %swap3A_123], %swap3A_126 {strides = array<i32>} : memref<128x64xf32, #tpu.memory_space<vmem>>, vector<1x16xf32>,
        %scan3A_127 = arith.constant 1 : i32
        %scan3A_128 = arith.addi %scan3A_87, %scan3A_127 : i32
        %get3A_129 = arith.index_cast %scan3A_128 : i32 to index
        %get3A_130 = arith.constant 0 : index
        %get3A_131 = tpu.vector_load %arg8[%get3A_129, %get3A_130] {strides = array<i32>} : memref<128x64xf32, #tpu.memory_space<vmem>>, vector<1x16xf32>,
        %get3A_132 = vector.shape_cast %get3A_131 : vector<1x16xf32> to vector<16xf32>
        %add3A_133 = arith.addf %get3A_132, %get3A_31 : vector<16xf32>
        %swap3A_134 = arith.index_cast %scan3A_128 : i32 to index
        %swap3A_135 = arith.constant 0 : index
        %swap3A_136 = tpu.vector_load %arg8[%swap3A_134, %swap3A_135] {strides = array<i32>} : memref<128x64xf32, #tpu.memory_space<vmem>>, vector<1x16xf32>,
        %swap3A_137 = vector.shape_cast %swap3A_136 : vector<1x16xf32> to vector<16xf32>
        %swap3A_138 = vector.shape_cast %add3A_133 : vector<16xf32> to vector<1x16xf32>
        tpu.vector_store %arg8[%swap3A_134, %swap3A_135], %swap3A_138 {strides = array<i32>} : memref<128x64xf32, #tpu.memory_space<vmem>>, vector<1x16xf32>,
        %get3A_139 = arith.index_cast %scan3A_128 : i32 to index
        %get3A_140 = arith.constant 16 : index
        %get3A_141 = tpu.vector_load %arg8[%get3A_139, %get3A_140] {strides = array<i32>} : memref<128x64xf32, #tpu.memory_space<vmem>>, vector<1x16xf32>,
        %get3A_142 = vector.shape_cast %get3A_141 : vector<1x16xf32> to vector<16xf32>
        %add3A_143 = arith.addf %get3A_142, %get3A_35 : vector<16xf32>
        %swap3A_144 = arith.index_cast %scan3A_128 : i32 to index
        %swap3A_145 = arith.constant 16 : index
        %swap3A_146 = tpu.vector_load %arg8[%swap3A_144, %swap3A_145] {strides = array<i32>} : memref<128x64xf32, #tpu.memory_space<vmem>>, vector<1x16xf32>,
        %swap3A_147 = vector.shape_cast %swap3A_146 : vector<1x16xf32> to vector<16xf32>
        %swap3A_148 = vector.shape_cast %add3A_143 : vector<16xf32> to vector<1x16xf32>
        tpu.vector_store %arg8[%swap3A_144, %swap3A_145], %swap3A_148 {strides = array<i32>} : memref<128x64xf32, #tpu.memory_space<vmem>>, vector<1x16xf32>,
        %get3A_149 = arith.index_cast %scan3A_128 : i32 to index
        %get3A_150 = arith.constant 32 : index
        %get3A_151 = tpu.vector_load %arg8[%get3A_149, %get3A_150] {strides = array<i32>} : memref<128x64xf32, #tpu.memory_space<vmem>>, vector<1x16xf32>,
        %get3A_152 = vector.shape_cast %get3A_151 : vector<1x16xf32> to vector<16xf32>
        %add3A_153 = arith.addf %get3A_152, %get3A_39 : vector<16xf32>
        %swap3A_154 = arith.index_cast %scan3A_128 : i32 to index
        %swap3A_155 = arith.constant 32 : index
        %swap3A_156 = tpu.vector_load %arg8[%swap3A_154, %swap3A_155] {strides = array<i32>} : memref<128x64xf32, #tpu.memory_space<vmem>>, vector<1x16xf32>,
        %swap3A_157 = vector.shape_cast %swap3A_156 : vector<1x16xf32> to vector<16xf32>
        %swap3A_158 = vector.shape_cast %add3A_153 : vector<16xf32> to vector<1x16xf32>
        tpu.vector_store %arg8[%swap3A_154, %swap3A_155], %swap3A_158 {strides = array<i32>} : memref<128x64xf32, #tpu.memory_space<vmem>>, vector<1x16xf32>,
        %get3A_159 = arith.index_cast %scan3A_128 : i32 to index
        %get3A_160 = arith.constant 48 : index
        %get3A_161 = tpu.vector_load %arg8[%get3A_159, %get3A_160] {strides = array<i32>} : memref<128x64xf32, #tpu.memory_space<vmem>>, vector<1x16xf32>,
        %get3A_162 = vector.shape_cast %get3A_161 : vector<1x16xf32> to vector<16xf32>
        %add3A_163 = arith.addf %get3A_162, %get3A_43 : vector<16xf32>
        %swap3A_164 = arith.index_cast %scan3A_128 : i32 to index
        %swap3A_165 = arith.constant 48 : index
        %swap3A_166 = tpu.vector_load %arg8[%swap3A_164, %swap3A_165] {strides = array<i32>} : memref<128x64xf32, #tpu.memory_space<vmem>>, vector<1x16xf32>,
        %swap3A_167 = vector.shape_cast %swap3A_166 : vector<1x16xf32> to vector<16xf32>
        %swap3A_168 = vector.shape_cast %add3A_163 : vector<16xf32> to vector<1x16xf32>
        tpu.vector_store %arg8[%swap3A_164, %swap3A_165], %swap3A_168 {strides = array<i32>} : memref<128x64xf32, #tpu.memory_space<vmem>>, vector<1x16xf32>,
        %scan3A_169 = arith.constant 2 : i32
        %scan3A_170 = arith.addi %scan3A_87, %scan3A_169 : i32
        %get3A_171 = arith.index_cast %scan3A_170 : i32 to index
        %get3A_172 = arith.constant 0 : index
        %get3A_173 = tpu.vector_load %arg8[%get3A_171, %get3A_172] {strides = array<i32>} : memref<128x64xf32, #tpu.memory_space<vmem>>, vector<1x16xf32>,
        %get3A_174 = vector.shape_cast %get3A_173 : vector<1x16xf32> to vector<16xf32>
        %add3A_175 = arith.addf %get3A_174, %get3A_31 : vector<16xf32>
        %swap3A_176 = arith.index_cast %scan3A_170 : i32 to index
        %swap3A_177 = arith.constant 0 : index
        %swap3A_178 = tpu.vector_load %arg8[%swap3A_176, %swap3A_177] {strides = array<i32>} : memref<128x64xf32, #tpu.memory_space<vmem>>, vector<1x16xf32>,
        %swap3A_179 = vector.shape_cast %swap3A_178 : vector<1x16xf32> to vector<16xf32>
        %swap3A_180 = vector.shape_cast %add3A_175 : vector<16xf32> to vector<1x16xf32>
        tpu.vector_store %arg8[%swap3A_176, %swap3A_177], %swap3A_180 {strides = array<i32>} : memref<128x64xf32, #tpu.memory_space<vmem>>, vector<1x16xf32>,
        %get3A_181 = arith.index_cast %scan3A_170 : i32 to index
        %get3A_182 = arith.constant 16 : index
        %get3A_183 = tpu.vector_load %arg8[%get3A_181, %get3A_182] {strides = array<i32>} : memref<128x64xf32, #tpu.memory_space<vmem>>, vector<1x16xf32>,
        %get3A_184 = vector.shape_cast %get3A_183 : vector<1x16xf32> to vector<16xf32>
        %add3A_185 = arith.addf %get3A_184, %get3A_35 : vector<16xf32>
        %swap3A_186 = arith.index_cast %scan3A_170 : i32 to index
        %swap3A_187 = arith.constant 16 : index
        %swap3A_188 = tpu.vector_load %arg8[%swap3A_186, %swap3A_187] {strides = array<i32>} : memref<128x64xf32, #tpu.memory_space<vmem>>, vector<1x16xf32>,
        %swap3A_189 = vector.shape_cast %swap3A_188 : vector<1x16xf32> to vector<16xf32>
        %swap3A_190 = vector.shape_cast %add3A_185 : vector<16xf32> to vector<1x16xf32>
        tpu.vector_store %arg8[%swap3A_186, %swap3A_187], %swap3A_190 {strides = array<i32>} : memref<128x64xf32, #tpu.memory_space<vmem>>, vector<1x16xf32>,
        %get3A_191 = arith.index_cast %scan3A_170 : i32 to index
        %get3A_192 = arith.constant 32 : index
        %get3A_193 = tpu.vector_load %arg8[%get3A_191, %get3A_192] {strides = array<i32>} : memref<128x64xf32, #tpu.memory_space<vmem>>, vector<1x16xf32>,
        %get3A_194 = vector.shape_cast %get3A_193 : vector<1x16xf32> to vector<16xf32>
        %add3A_195 = arith.addf %get3A_194, %get3A_39 : vector<16xf32>
        %swap3A_196 = arith.index_cast %scan3A_170 : i32 to index
        %swap3A_197 = arith.constant 32 : index
        %swap3A_198 = tpu.vector_load %arg8[%swap3A_196, %swap3A_197] {strides = array<i32>} : memref<128x64xf32, #tpu.memory_space<vmem>>, vector<1x16xf32>,
        %swap3A_199 = vector.shape_cast %swap3A_198 : vector<1x16xf32> to vector<16xf32>
        %swap3A_200 = vector.shape_cast %add3A_195 : vector<16xf32> to vector<1x16xf32>
        tpu.vector_store %arg8[%swap3A_196, %swap3A_197], %swap3A_200 {strides = array<i32>} : memref<128x64xf32, #tpu.memory_space<vmem>>, vector<1x16xf32>,
        %get3A_201 = arith.index_cast %scan3A_170 : i32 to index
        %get3A_202 = arith.constant 48 : index
        %get3A_203 = tpu.vector_load %arg8[%get3A_201, %get3A_202] {strides = array<i32>} : memref<128x64xf32, #tpu.memory_space<vmem>>, vector<1x16xf32>,
        %get3A_204 = vector.shape_cast %get3A_203 : vector<1x16xf32> to vector<16xf32>
        %add3A_205 = arith.addf %get3A_204, %get3A_43 : vector<16xf32>
        %swap3A_206 = arith.index_cast %scan3A_170 : i32 to index
        %swap3A_207 = arith.constant 48 : index
        %swap3A_208 = tpu.vector_load %arg8[%swap3A_206, %swap3A_207] {strides = array<i32>} : memref<128x64xf32, #tpu.memory_space<vmem>>, vector<1x16xf32>,
        %swap3A_209 = vector.shape_cast %swap3A_208 : vector<1x16xf32> to vector<16xf32>
        %swap3A_210 = vector.shape_cast %add3A_205 : vector<16xf32> to vector<1x16xf32>
        tpu.vector_store %arg8[%swap3A_206, %swap3A_207], %swap3A_210 {strides = array<i32>} : memref<128x64xf32, #tpu.memory_space<vmem>>, vector<1x16xf32>,
        %scan3A_211 = arith.constant 3 : i32
        %scan3A_212 = arith.addi %scan3A_87, %scan3A_211 : i32
        %get3A_213 = arith.index_cast %scan3A_212 : i32 to index
        %get3A_214 = arith.constant 0 : index
        %get3A_215 = tpu.vector_load %arg8[%get3A_213, %get3A_214] {strides = array<i32>} : memref<128x64xf32, #tpu.memory_space<vmem>>, vector<1x16xf32>,
        %get3A_216 = vector.shape_cast %get3A_215 : vector<1x16xf32> to vector<16xf32>
        %add3A_217 = arith.addf %get3A_216, %get3A_31 : vector<16xf32>
        %swap3A_218 = arith.index_cast %scan3A_212 : i32 to index
        %swap3A_219 = arith.constant 0 : index
        %swap3A_220 = tpu.vector_load %arg8[%swap3A_218, %swap3A_219] {strides = array<i32>} : memref<128x64xf32, #tpu.memory_space<vmem>>, vector<1x16xf32>,
        %swap3A_221 = vector.shape_cast %swap3A_220 : vector<1x16xf32> to vector<16xf32>
        %swap3A_222 = vector.shape_cast %add3A_217 : vector<16xf32> to vector<1x16xf32>
        tpu.vector_store %arg8[%swap3A_218, %swap3A_219], %swap3A_222 {strides = array<i32>} : memref<128x64xf32, #tpu.memory_space<vmem>>, vector<1x16xf32>,
        %get3A_223 = arith.index_cast %scan3A_212 : i32 to index
        %get3A_224 = arith.constant 16 : index
        %get3A_225 = tpu.vector_load %arg8[%get3A_223, %get3A_224] {strides = array<i32>} : memref<128x64xf32, #tpu.memory_space<vmem>>, vector<1x16xf32>,
        %get3A_226 = vector.shape_cast %get3A_225 : vector<1x16xf32> to vector<16xf32>
        %add3A_227 = arith.addf %get3A_226, %get3A_35 : vector<16xf32>
        %swap3A_228 = arith.index_cast %scan3A_212 : i32 to index
        %swap3A_229 = arith.constant 16 : index
        %swap3A_230 = tpu.vector_load %arg8[%swap3A_228, %swap3A_229] {strides = array<i32>} : memref<128x64xf32, #tpu.memory_space<vmem>>, vector<1x16xf32>,
        %swap3A_231 = vector.shape_cast %swap3A_230 : vector<1x16xf32> to vector<16xf32>
        %swap3A_232 = vector.shape_cast %add3A_227 : vector<16xf32> to vector<1x16xf32>
        tpu.vector_store %arg8[%swap3A_228, %swap3A_229], %swap3A_232 {strides = array<i32>} : memref<128x64xf32, #tpu.memory_space<vmem>>, vector<1x16xf32>,
        %get3A_233 = arith.index_cast %scan3A_212 : i32 to index
        %get3A_234 = arith.constant 32 : index
        %get3A_235 = tpu.vector_load %arg8[%get3A_233, %get3A_234] {strides = array<i32>} : memref<128x64xf32, #tpu.memory_space<vmem>>, vector<1x16xf32>,
        %get3A_236 = vector.shape_cast %get3A_235 : vector<1x16xf32> to vector<16xf32>
        %add3A_237 = arith.addf %get3A_236, %get3A_39 : vector<16xf32>
        %swap3A_238 = arith.index_cast %scan3A_212 : i32 to index
        %swap3A_239 = arith.constant 32 : index
        %swap3A_240 = tpu.vector_load %arg8[%swap3A_238, %swap3A_239] {strides = array<i32>} : memref<128x64xf32, #tpu.memory_space<vmem>>, vector<1x16xf32>,
        %swap3A_241 = vector.shape_cast %swap3A_240 : vector<1x16xf32> to vector<16xf32>
        %swap3A_242 = vector.shape_cast %add3A_237 : vector<16xf32> to vector<1x16xf32>
        tpu.vector_store %arg8[%swap3A_238, %swap3A_239], %swap3A_242 {strides = array<i32>} : memref<128x64xf32, #tpu.memory_space<vmem>>, vector<1x16xf32>,
        %get3A_243 = arith.index_cast %scan3A_212 : i32 to index
        %get3A_244 = arith.constant 48 : index
        %get3A_245 = tpu.vector_load %arg8[%get3A_243, %get3A_244] {strides = array<i32>} : memref<128x64xf32, #tpu.memory_space<vmem>>, vector<1x16xf32>,
        %get3A_246 = vector.shape_cast %get3A_245 : vector<1x16xf32> to vector<16xf32>
        %add3A_247 = arith.addf %get3A_246, %get3A_43 : vector<16xf32>
        %swap3A_248 = arith.index_cast %scan3A_212 : i32 to index
        %swap3A_249 = arith.constant 48 : index
        %swap3A_250 = tpu.vector_load %arg8[%swap3A_248, %swap3A_249] {strides = array<i32>} : memref<128x64xf32, #tpu.memory_space<vmem>>, vector<1x16xf32>,
        %swap3A_251 = vector.shape_cast %swap3A_250 : vector<1x16xf32> to vector<16xf32>
        %swap3A_252 = vector.shape_cast %add3A_247 : vector<16xf32> to vector<1x16xf32>
        tpu.vector_store %arg8[%swap3A_248, %swap3A_249], %swap3A_252 {strides = array<i32>} : memref<128x64xf32, #tpu.memory_space<vmem>>, vector<1x16xf32>,
      }
      %scan3A_49 = arith.constant 128 : i32
      "tpu.region"() ({
        %run_scoped3A = tpu.sem_alloc : memref<!tpu.dma_semaphore, #tpu.memory_space<semaphore_mem>>
        %dma_start3A_87 = arith.constant 0 : i32
        %dma_start3A_88 = arith.constant 0 : i32
        %dma_start3A_89 = tpu.memref_slice %arg5[%add3A, %dma_start3A_87, %mul3A_14, %dma_start3A_88] : memref<32x128x200x64xf32, #tpu.memory_space<hbm>> -> memref<1x128x1x64xf32, #tpu.memory_space<hbm>>
        %dma_start3A_90 = tpu.memref_squeeze %dma_start3A_89 : memref<1x128x1x64xf32, #tpu.memory_space<hbm>> -> memref<128x64xf32, #tpu.memory_space<hbm>>
        %dma_start3A_91 = arith.constant 0 : i32
        %dma_start3A_92 = arith.constant 0 : i32
        %dma_start3A_93 = tpu.memref_slice %arg5[%add3A, %dma_start3A_91, %mul3A_14, %dma_start3A_92] : memref<32x128x200x64xf32, #tpu.memory_space<hbm>> -> memref<1x128x1x64xf32, #tpu.memory_space<hbm>>
        %dma_start3A_94 = tpu.memref_squeeze %dma_start3A_93 : memref<1x128x1x64xf32, #tpu.memory_space<hbm>> -> memref<128x64xf32, #tpu.memory_space<hbm>>
        tpu.enqueue_dma source(%arg8 : memref<128x64xf32, #tpu.memory_space<vmem>>) target(%dma_start3A_94 : memref<128x64xf32, #tpu.memory_space<hbm>>) target_semaphore(%run_scoped3A : memref<!tpu.dma_semaphore, #tpu.memory_space<semaphore_mem>>)
        %dma_wait3A_95 = arith.constant 0 : i32
        %dma_wait3A_96 = arith.constant 0 : i32
        %dma_wait3A_97 = tpu.memref_slice %arg5[%add3A, %dma_wait3A_95, %mul3A_14, %dma_wait3A_96] : memref<32x128x200x64xf32, #tpu.memory_space<hbm>> -> memref<1x128x1x64xf32, #tpu.memory_space<hbm>>
        %dma_wait3A_98 = tpu.memref_squeeze %dma_wait3A_97 : memref<1x128x1x64xf32, #tpu.memory_space<hbm>> -> memref<128x64xf32, #tpu.memory_space<hbm>>
        %dma_wait3A_99 = arith.constant 0 : i32
        %dma_wait3A_100 = arith.constant 0 : i32
        %dma_wait3A_101 = tpu.memref_slice %arg5[%add3A, %dma_wait3A_99, %mul3A_14, %dma_wait3A_100] : memref<32x128x200x64xf32, #tpu.memory_space<hbm>> -> memref<1x128x1x64xf32, #tpu.memory_space<hbm>>
        %dma_wait3A_102 = tpu.memref_squeeze %dma_wait3A_101 : memref<1x128x1x64xf32, #tpu.memory_space<hbm>> -> memref<128x64xf32, #tpu.memory_space<hbm>>
        tpu.wait_dma2 semaphore(%run_scoped3A : memref<!tpu.dma_semaphore, #tpu.memory_space<semaphore_mem>>) src(%arg8 : memref<128x64xf32, #tpu.memory_space<vmem>>) dst(%dma_wait3A_102 : memref<128x64xf32, #tpu.memory_space<hbm>>)
        tpu.yield
      }) : () -> ()
      %add3A_50 = arith.constant 2 : i32
      %add3A_51 = arith.addi %mul3A_14, %add3A_50 : i32
      %lt3A = arith.constant 200 : i32
      %lt3A_52 = arith.cmpi slt, %add3A_51, %lt3A : i32
      %convert_element_type3A = arith.extui %lt3A_52 : i1 to i32
      %cond3A = arith.constant 0 : i32
      %cond3A_53 = arith.cmpi ne, %convert_element_type3A, %cond3A : i32
      scf.if %cond3A_53 {
        %add3A_87 = arith.constant 2 : i32
        %add3A_88 = arith.addi %mul3A_14, %add3A_87 : i32
        %dma_start3A_89 = arith.constant 0 : i32
        %dma_start3A_90 = tpu.memref_slice %arg6[%add3A_88, %dma_start3A_89] : memref<200x128xi32, #tpu.memory_space<vmem>> -> memref<1x128xi32, #tpu.memory_space<vmem>>
        %dma_start3A_91 = tpu.memref_squeeze %dma_start3A_90 : memref<1x128xi32, #tpu.memory_space<vmem>> -> memref<128xi32, #tpu.memory_space<vmem>>
        %dma_start3A_92 = arith.constant 0 : i32
        %dma_start3A_93 = arith.constant 0 : i32
        %dma_start3A_94 = tpu.memref_slice %arg4[%dma_start3A_92, %dma_start3A_93] : memref<1000000x64xf32, #tpu.memory_space<hbm>> -> memref<1000000x64xf32, #tpu.memory_space<hbm>>
        tpu.enqueue_indirect_dma source(%dma_start3A_94 : memref<1000000x64xf32, #tpu.memory_space<hbm>>) target(%arg8 : memref<128x64xf32, #tpu.memory_space<vmem>>) offsets(%dma_start3A_91 : memref<128xi32, #tpu.memory_space<vmem>>) semaphore(%arg10 : memref<!tpu.dma_semaphore, #tpu.memory_space<semaphore_mem>>)
      } else {
      }
      %dma_wait3A_54 = arith.constant 0 : i32
      %dma_wait3A_55 = arith.constant 0 : i32
      %dma_wait3A_56 = tpu.memref_slice %arg6[%dma_wait3A_54, %dma_wait3A_55] : memref<200x128xi32, #tpu.memory_space<vmem>> -> memref<1x128xi32, #tpu.memory_space<vmem>>
      %dma_wait3A_57 = tpu.memref_squeeze %dma_wait3A_56 : memref<1x128xi32, #tpu.memory_space<vmem>> -> memref<128xi32, #tpu.memory_space<vmem>>
      %dma_wait3A_58 = arith.constant 0 : i32
      %dma_wait3A_59 = arith.constant 0 : i32
      %dma_wait3A_60 = tpu.memref_slice %arg4[%dma_wait3A_58, %dma_wait3A_59] : memref<1000000x64xf32, #tpu.memory_space<hbm>> -> memref<1000000x64xf32, #tpu.memory_space<hbm>>
      tpu.wait_indirect_dma semaphore(%arg11 : memref<!tpu.dma_semaphore, #tpu.memory_space<semaphore_mem>>) src(%dma_wait3A_60 : memref<1000000x64xf32, #tpu.memory_space<hbm>>) dst(%arg9 : memref<128x64xf32, #tpu.memory_space<vmem>>)
      %add3A_61 = arith.constant 1 : i32
      %add3A_62 = arith.addi %mul3A_14, %add3A_61 : i32
      %get3A_63 = arith.index_cast %add3A_62 : i32 to index
      %get3A_64 = arith.constant 0 : index
      %get3A_65 = tpu.vector_load %arg7[%get3A_63, %get3A_64] {strides = array<i32>} : memref<200x64xf32, #tpu.memory_space<vmem>>, vector<1x16xf32>,
      %get3A_66 = vector.shape_cast %get3A_65 : vector<1x16xf32> to vector<16xf32>
      %get3A_67 = arith.index_cast %add3A_62 : i32 to index
      %get3A_68 = arith.constant 16 : index
      %get3A_69 = tpu.vector_load %arg7[%get3A_67, %get3A_68] {strides = array<i32>} : memref<200x64xf32, #tpu.memory_space<vmem>>, vector<1x16xf32>,
      %get3A_70 = vector.shape_cast %get3A_69 : vector<1x16xf32> to vector<16xf32>
      %get3A_71 = arith.index_cast %add3A_62 : i32 to index
      %get3A_72 = arith.constant 32 : index
      %get3A_73 = tpu.vector_load %arg7[%get3A_71, %get3A_72] {strides = array<i32>} : memref<200x64xf32, #tpu.memory_space<vmem>>, vector<1x16xf32>,
      %get3A_74 = vector.shape_cast %get3A_73 : vector<1x16xf32> to vector<16xf32>
      %get3A_75 = arith.index_cast %add3A_62 : i32 to index
      %get3A_76 = arith.constant 48 : index
      %get3A_77 = tpu.vector_load %arg7[%get3A_75, %get3A_76] {strides = array<i32>} : memref<200x64xf32, #tpu.memory_space<vmem>>, vector<1x16xf32>,
      %get3A_78 = vector.shape_cast %get3A_77 : vector<1x16xf32> to vector<16xf32>
      %scan3A_79 = arith.constant 0 : i32
      %scan3A_80 = arith.constant 0 : i32
      %scan3A_81 = arith.constant 128 : i32
      %scan3A_82 = arith.addi %scan3A_80, %scan3A_81 : i32
      %scan3A_83 = arith.constant 4 : i32
      scf.for %scan3A_87 = %scan3A_80 to %scan3A_82 step %scan3A_83  : i32 {
        %get3A_88 = arith.index_cast %scan3A_87 : i32 to index
        %get3A_89 = arith.constant 0 : index
        %get3A_90 = tpu.vector_load %arg9[%get3A_88, %get3A_89] {strides = array<i32>} : memref<128x64xf32, #tpu.memory_space<vmem>>, vector<1x16xf32>,
        %get3A_91 = vector.shape_cast %get3A_90 : vector<1x16xf32> to vector<16xf32>
        %add3A_92 = arith.addf %get3A_91, %get3A_66 : vector<16xf32>
        %swap3A = arith.index_cast %scan3A_87 : i32 to index
        %swap3A_93 = arith.constant 0 : index
        %swap3A_94 = tpu.vector_load %arg9[%swap3A, %swap3A_93] {strides = array<i32>} : memref<128x64xf32, #tpu.memory_space<vmem>>, vector<1x16xf32>,
        %swap3A_95 = vector.shape_cast %swap3A_94 : vector<1x16xf32> to vector<16xf32>
        %swap3A_96 = vector.shape_cast %add3A_92 : vector<16xf32> to vector<1x16xf32>
        tpu.vector_store %arg9[%swap3A, %swap3A_93], %swap3A_96 {strides = array<i32>} : memref<128x64xf32, #tpu.memory_space<vmem>>, vector<1x16xf32>,
        %get3A_97 = arith.index_cast %scan3A_87 : i32 to index
        %get3A_98 = arith.constant 16 : index
        %get3A_99 = tpu.vector_load %arg9[%get3A_97, %get3A_98] {strides = array<i32>} : memref<128x64xf32, #tpu.memory_space<vmem>>, vector<1x16xf32>,
        %get3A_100 = vector.shape_cast %get3A_99 : vector<1x16xf32> to vector<16xf32>
        %add3A_101 = arith.addf %get3A_100, %get3A_70 : vector<16xf32>
        %swap3A_102 = arith.index_cast %scan3A_87 : i32 to index
        %swap3A_103 = arith.constant 16 : index
        %swap3A_104 = tpu.vector_load %arg9[%swap3A_102, %swap3A_103] {strides = array<i32>} : memref<128x64xf32, #tpu.memory_space<vmem>>, vector<1x16xf32>,
        %swap3A_105 = vector.shape_cast %swap3A_104 : vector<1x16xf32> to vector<16xf32>
        %swap3A_106 = vector.shape_cast %add3A_101 : vector<16xf32> to vector<1x16xf32>
        tpu.vector_store %arg9[%swap3A_102, %swap3A_103], %swap3A_106 {strides = array<i32>} : memref<128x64xf32, #tpu.memory_space<vmem>>, vector<1x16xf32>,
        %get3A_107 = arith.index_cast %scan3A_87 : i32 to index
        %get3A_108 = arith.constant 32 : index
        %get3A_109 = tpu.vector_load %arg9[%get3A_107, %get3A_108] {strides = array<i32>} : memref<128x64xf32, #tpu.memory_space<vmem>>, vector<1x16xf32>,
        %get3A_110 = vector.shape_cast %get3A_109 : vector<1x16xf32> to vector<16xf32>
        %add3A_111 = arith.addf %get3A_110, %get3A_74 : vector<16xf32>
        %swap3A_112 = arith.index_cast %scan3A_87 : i32 to index
        %swap3A_113 = arith.constant 32 : index
        %swap3A_114 = tpu.vector_load %arg9[%swap3A_112, %swap3A_113] {strides = array<i32>} : memref<128x64xf32, #tpu.memory_space<vmem>>, vector<1x16xf32>,
        %swap3A_115 = vector.shape_cast %swap3A_114 : vector<1x16xf32> to vector<16xf32>
        %swap3A_116 = vector.shape_cast %add3A_111 : vector<16xf32> to vector<1x16xf32>
        tpu.vector_store %arg9[%swap3A_112, %swap3A_113], %swap3A_116 {strides = array<i32>} : memref<128x64xf32, #tpu.memory_space<vmem>>, vector<1x16xf32>,
        %get3A_117 = arith.index_cast %scan3A_87 : i32 to index
        %get3A_118 = arith.constant 48 : index
        %get3A_119 = tpu.vector_load %arg9[%get3A_117, %get3A_118] {strides = array<i32>} : memref<128x64xf32, #tpu.memory_space<vmem>>, vector<1x16xf32>,
        %get3A_120 = vector.shape_cast %get3A_119 : vector<1x16xf32> to vector<16xf32>
        %add3A_121 = arith.addf %get3A_120, %get3A_78 : vector<16xf32>
        %swap3A_122 = arith.index_cast %scan3A_87 : i32 to index
        %swap3A_123 = arith.constant 48 : index
        %swap3A_124 = tpu.vector_load %arg9[%swap3A_122, %swap3A_123] {strides = array<i32>} : memref<128x64xf32, #tpu.memory_space<vmem>>, vector<1x16xf32>,
        %swap3A_125 = vector.shape_cast %swap3A_124 : vector<1x16xf32> to vector<16xf32>
        %swap3A_126 = vector.shape_cast %add3A_121 : vector<16xf32> to vector<1x16xf32>
        tpu.vector_store %arg9[%swap3A_122, %swap3A_123], %swap3A_126 {strides = array<i32>} : memref<128x64xf32, #tpu.memory_space<vmem>>, vector<1x16xf32>,
        %scan3A_127 = arith.constant 1 : i32
        %scan3A_128 = arith.addi %scan3A_87, %scan3A_127 : i32
        %get3A_129 = arith.index_cast %scan3A_128 : i32 to index
        %get3A_130 = arith.constant 0 : index
        %get3A_131 = tpu.vector_load %arg9[%get3A_129, %get3A_130] {strides = array<i32>} : memref<128x64xf32, #tpu.memory_space<vmem>>, vector<1x16xf32>,
        %get3A_132 = vector.shape_cast %get3A_131 : vector<1x16xf32> to vector<16xf32>
        %add3A_133 = arith.addf %get3A_132, %get3A_66 : vector<16xf32>
        %swap3A_134 = arith.index_cast %scan3A_128 : i32 to index
        %swap3A_135 = arith.constant 0 : index
        %swap3A_136 = tpu.vector_load %arg9[%swap3A_134, %swap3A_135] {strides = array<i32>} : memref<128x64xf32, #tpu.memory_space<vmem>>, vector<1x16xf32>,
        %swap3A_137 = vector.shape_cast %swap3A_136 : vector<1x16xf32> to vector<16xf32>
        %swap3A_138 = vector.shape_cast %add3A_133 : vector<16xf32> to vector<1x16xf32>
        tpu.vector_store %arg9[%swap3A_134, %swap3A_135], %swap3A_138 {strides = array<i32>} : memref<128x64xf32, #tpu.memory_space<vmem>>, vector<1x16xf32>,
        %get3A_139 = arith.index_cast %scan3A_128 : i32 to index
        %get3A_140 = arith.constant 16 : index
        %get3A_141 = tpu.vector_load %arg9[%get3A_139, %get3A_140] {strides = array<i32>} : memref<128x64xf32, #tpu.memory_space<vmem>>, vector<1x16xf32>,
        %get3A_142 = vector.shape_cast %get3A_141 : vector<1x16xf32> to vector<16xf32>
        %add3A_143 = arith.addf %get3A_142, %get3A_70 : vector<16xf32>
        %swap3A_144 = arith.index_cast %scan3A_128 : i32 to index
        %swap3A_145 = arith.constant 16 : index
        %swap3A_146 = tpu.vector_load %arg9[%swap3A_144, %swap3A_145] {strides = array<i32>} : memref<128x64xf32, #tpu.memory_space<vmem>>, vector<1x16xf32>,
        %swap3A_147 = vector.shape_cast %swap3A_146 : vector<1x16xf32> to vector<16xf32>
        %swap3A_148 = vector.shape_cast %add3A_143 : vector<16xf32> to vector<1x16xf32>
        tpu.vector_store %arg9[%swap3A_144, %swap3A_145], %swap3A_148 {strides = array<i32>} : memref<128x64xf32, #tpu.memory_space<vmem>>, vector<1x16xf32>,
        %get3A_149 = arith.index_cast %scan3A_128 : i32 to index
        %get3A_150 = arith.constant 32 : index
        %get3A_151 = tpu.vector_load %arg9[%get3A_149, %get3A_150] {strides = array<i32>} : memref<128x64xf32, #tpu.memory_space<vmem>>, vector<1x16xf32>,
        %get3A_152 = vector.shape_cast %get3A_151 : vector<1x16xf32> to vector<16xf32>
        %add3A_153 = arith.addf %get3A_152, %get3A_74 : vector<16xf32>
        %swap3A_154 = arith.index_cast %scan3A_128 : i32 to index
        %swap3A_155 = arith.constant 32 : index
        %swap3A_156 = tpu.vector_load %arg9[%swap3A_154, %swap3A_155] {strides = array<i32>} : memref<128x64xf32, #tpu.memory_space<vmem>>, vector<1x16xf32>,
        %swap3A_157 = vector.shape_cast %swap3A_156 : vector<1x16xf32> to vector<16xf32>
        %swap3A_158 = vector.shape_cast %add3A_153 : vector<16xf32> to vector<1x16xf32>
        tpu.vector_store %arg9[%swap3A_154, %swap3A_155], %swap3A_158 {strides = array<i32>} : memref<128x64xf32, #tpu.memory_space<vmem>>, vector<1x16xf32>,
        %get3A_159 = arith.index_cast %scan3A_128 : i32 to index
        %get3A_160 = arith.constant 48 : index
        %get3A_161 = tpu.vector_load %arg9[%get3A_159, %get3A_160] {strides = array<i32>} : memref<128x64xf32, #tpu.memory_space<vmem>>, vector<1x16xf32>,
        %get3A_162 = vector.shape_cast %get3A_161 : vector<1x16xf32> to vector<16xf32>
        %add3A_163 = arith.addf %get3A_162, %get3A_78 : vector<16xf32>
        %swap3A_164 = arith.index_cast %scan3A_128 : i32 to index
        %swap3A_165 = arith.constant 48 : index
        %swap3A_166 = tpu.vector_load %arg9[%swap3A_164, %swap3A_165] {strides = array<i32>} : memref<128x64xf32, #tpu.memory_space<vmem>>, vector<1x16xf32>,
        %swap3A_167 = vector.shape_cast %swap3A_166 : vector<1x16xf32> to vector<16xf32>
        %swap3A_168 = vector.shape_cast %add3A_163 : vector<16xf32> to vector<1x16xf32>
        tpu.vector_store %arg9[%swap3A_164, %swap3A_165], %swap3A_168 {strides = array<i32>} : memref<128x64xf32, #tpu.memory_space<vmem>>, vector<1x16xf32>,
        %scan3A_169 = arith.constant 2 : i32
        %scan3A_170 = arith.addi %scan3A_87, %scan3A_169 : i32
        %get3A_171 = arith.index_cast %scan3A_170 : i32 to index
        %get3A_172 = arith.constant 0 : index
        %get3A_173 = tpu.vector_load %arg9[%get3A_171, %get3A_172] {strides = array<i32>} : memref<128x64xf32, #tpu.memory_space<vmem>>, vector<1x16xf32>,
        %get3A_174 = vector.shape_cast %get3A_173 : vector<1x16xf32> to vector<16xf32>
        %add3A_175 = arith.addf %get3A_174, %get3A_66 : vector<16xf32>
        %swap3A_176 = arith.index_cast %scan3A_170 : i32 to index
        %swap3A_177 = arith.constant 0 : index
        %swap3A_178 = tpu.vector_load %arg9[%swap3A_176, %swap3A_177] {strides = array<i32>} : memref<128x64xf32, #tpu.memory_space<vmem>>, vector<1x16xf32>,
        %swap3A_179 = vector.shape_cast %swap3A_178 : vector<1x16xf32> to vector<16xf32>
        %swap3A_180 = vector.shape_cast %add3A_175 : vector<16xf32> to vector<1x16xf32>
        tpu.vector_store %arg9[%swap3A_176, %swap3A_177], %swap3A_180 {strides = array<i32>} : memref<128x64xf32, #tpu.memory_space<vmem>>, vector<1x16xf32>,
        %get3A_181 = arith.index_cast %scan3A_170 : i32 to index
        %get3A_182 = arith.constant 16 : index
        %get3A_183 = tpu.vector_load %arg9[%get3A_181, %get3A_182] {strides = array<i32>} : memref<128x64xf32, #tpu.memory_space<vmem>>, vector<1x16xf32>,
        %get3A_184 = vector.shape_cast %get3A_183 : vector<1x16xf32> to vector<16xf32>
        %add3A_185 = arith.addf %get3A_184, %get3A_70 : vector<16xf32>
        %swap3A_186 = arith.index_cast %scan3A_170 : i32 to index
        %swap3A_187 = arith.constant 16 : index
        %swap3A_188 = tpu.vector_load %arg9[%swap3A_186, %swap3A_187] {strides = array<i32>} : memref<128x64xf32, #tpu.memory_space<vmem>>, vector<1x16xf32>,
        %swap3A_189 = vector.shape_cast %swap3A_188 : vector<1x16xf32> to vector<16xf32>
        %swap3A_190 = vector.shape_cast %add3A_185 : vector<16xf32> to vector<1x16xf32>
        tpu.vector_store %arg9[%swap3A_186, %swap3A_187], %swap3A_190 {strides = array<i32>} : memref<128x64xf32, #tpu.memory_space<vmem>>, vector<1x16xf32>,
        %get3A_191 = arith.index_cast %scan3A_170 : i32 to index
        %get3A_192 = arith.constant 32 : index
        %get3A_193 = tpu.vector_load %arg9[%get3A_191, %get3A_192] {strides = array<i32>} : memref<128x64xf32, #tpu.memory_space<vmem>>, vector<1x16xf32>,
        %get3A_194 = vector.shape_cast %get3A_193 : vector<1x16xf32> to vector<16xf32>
        %add3A_195 = arith.addf %get3A_194, %get3A_74 : vector<16xf32>
        %swap3A_196 = arith.index_cast %scan3A_170 : i32 to index
        %swap3A_197 = arith.constant 32 : index
        %swap3A_198 = tpu.vector_load %arg9[%swap3A_196, %swap3A_197] {strides = array<i32>} : memref<128x64xf32, #tpu.memory_space<vmem>>, vector<1x16xf32>,
        %swap3A_199 = vector.shape_cast %swap3A_198 : vector<1x16xf32> to vector<16xf32>
        %swap3A_200 = vector.shape_cast %add3A_195 : vector<16xf32> to vector<1x16xf32>
        tpu.vector_store %arg9[%swap3A_196, %swap3A_197], %swap3A_200 {strides = array<i32>} : memref<128x64xf32, #tpu.memory_space<vmem>>, vector<1x16xf32>,
        %get3A_201 = arith.index_cast %scan3A_170 : i32 to index
        %get3A_202 = arith.constant 48 : index
        %get3A_203 = tpu.vector_load %arg9[%get3A_201, %get3A_202] {strides = array<i32>} : memref<128x64xf32, #tpu.memory_space<vmem>>, vector<1x16xf32>,
        %get3A_204 = vector.shape_cast %get3A_203 : vector<1x16xf32> to vector<16xf32>
        %add3A_205 = arith.addf %get3A_204, %get3A_78 : vector<16xf32>
        %swap3A_206 = arith.index_cast %scan3A_170 : i32 to index
        %swap3A_207 = arith.constant 48 : index
        %swap3A_208 = tpu.vector_load %arg9[%swap3A_206, %swap3A_207] {strides = array<i32>} : memref<128x64xf32, #tpu.memory_space<vmem>>, vector<1x16xf32>,
        %swap3A_209 = vector.shape_cast %swap3A_208 : vector<1x16xf32> to vector<16xf32>
        %swap3A_210 = vector.shape_cast %add3A_205 : vector<16xf32> to vector<1x16xf32>
        tpu.vector_store %arg9[%swap3A_206, %swap3A_207], %swap3A_210 {strides = array<i32>} : memref<128x64xf32, #tpu.memory_space<vmem>>, vector<1x16xf32>,
        %scan3A_211 = arith.constant 3 : i32
        %scan3A_212 = arith.addi %scan3A_87, %scan3A_211 : i32
        %get3A_213 = arith.index_cast %scan3A_212 : i32 to index
        %get3A_214 = arith.constant 0 : index
        %get3A_215 = tpu.vector_load %arg9[%get3A_213, %get3A_214] {strides = array<i32>} : memref<128x64xf32, #tpu.memory_space<vmem>>, vector<1x16xf32>,
        %get3A_216 = vector.shape_cast %get3A_215 : vector<1x16xf32> to vector<16xf32>
        %add3A_217 = arith.addf %get3A_216, %get3A_66 : vector<16xf32>
        %swap3A_218 = arith.index_cast %scan3A_212 : i32 to index
        %swap3A_219 = arith.constant 0 : index
        %swap3A_220 = tpu.vector_load %arg9[%swap3A_218, %swap3A_219] {strides = array<i32>} : memref<128x64xf32, #tpu.memory_space<vmem>>, vector<1x16xf32>,
        %swap3A_221 = vector.shape_cast %swap3A_220 : vector<1x16xf32> to vector<16xf32>
        %swap3A_222 = vector.shape_cast %add3A_217 : vector<16xf32> to vector<1x16xf32>
        tpu.vector_store %arg9[%swap3A_218, %swap3A_219], %swap3A_222 {strides = array<i32>} : memref<128x64xf32, #tpu.memory_space<vmem>>, vector<1x16xf32>,
        %get3A_223 = arith.index_cast %scan3A_212 : i32 to index
        %get3A_224 = arith.constant 16 : index
        %get3A_225 = tpu.vector_load %arg9[%get3A_223, %get3A_224] {strides = array<i32>} : memref<128x64xf32, #tpu.memory_space<vmem>>, vector<1x16xf32>,
        %get3A_226 = vector.shape_cast %get3A_225 : vector<1x16xf32> to vector<16xf32>
        %add3A_227 = arith.addf %get3A_226, %get3A_70 : vector<16xf32>
        %swap3A_228 = arith.index_cast %scan3A_212 : i32 to index
        %swap3A_229 = arith.constant 16 : index
        %swap3A_230 = tpu.vector_load %arg9[%swap3A_228, %swap3A_229] {strides = array<i32>} : memref<128x64xf32, #tpu.memory_space<vmem>>, vector<1x16xf32>,
        %swap3A_231 = vector.shape_cast %swap3A_230 : vector<1x16xf32> to vector<16xf32>
        %swap3A_232 = vector.shape_cast %add3A_227 : vector<16xf32> to vector<1x16xf32>
        tpu.vector_store %arg9[%swap3A_228, %swap3A_229], %swap3A_232 {strides = array<i32>} : memref<128x64xf32, #tpu.memory_space<vmem>>, vector<1x16xf32>,
        %get3A_233 = arith.index_cast %scan3A_212 : i32 to index
        %get3A_234 = arith.constant 32 : index
        %get3A_235 = tpu.vector_load %arg9[%get3A_233, %get3A_234] {strides = array<i32>} : memref<128x64xf32, #tpu.memory_space<vmem>>, vector<1x16xf32>,
        %get3A_236 = vector.shape_cast %get3A_235 : vector<1x16xf32> to vector<16xf32>
        %add3A_237 = arith.addf %get3A_236, %get3A_74 : vector<16xf32>
        %swap3A_238 = arith.index_cast %scan3A_212 : i32 to index
        %swap3A_239 = arith.constant 32 : index
        %swap3A_240 = tpu.vector_load %arg9[%swap3A_238, %swap3A_239] {strides = array<i32>} : memref<128x64xf32, #tpu.memory_space<vmem>>, vector<1x16xf32>,
        %swap3A_241 = vector.shape_cast %swap3A_240 : vector<1x16xf32> to vector<16xf32>
        %swap3A_242 = vector.shape_cast %add3A_237 : vector<16xf32> to vector<1x16xf32>
        tpu.vector_store %arg9[%swap3A_238, %swap3A_239], %swap3A_242 {strides = array<i32>} : memref<128x64xf32, #tpu.memory_space<vmem>>, vector<1x16xf32>,
        %get3A_243 = arith.index_cast %scan3A_212 : i32 to index
        %get3A_244 = arith.constant 48 : index
        %get3A_245 = tpu.vector_load %arg9[%get3A_243, %get3A_244] {strides = array<i32>} : memref<128x64xf32, #tpu.memory_space<vmem>>, vector<1x16xf32>,
        %get3A_246 = vector.shape_cast %get3A_245 : vector<1x16xf32> to vector<16xf32>
        %add3A_247 = arith.addf %get3A_246, %get3A_78 : vector<16xf32>
        %swap3A_248 = arith.index_cast %scan3A_212 : i32 to index
        %swap3A_249 = arith.constant 48 : index
        %swap3A_250 = tpu.vector_load %arg9[%swap3A_248, %swap3A_249] {strides = array<i32>} : memref<128x64xf32, #tpu.memory_space<vmem>>, vector<1x16xf32>,
        %swap3A_251 = vector.shape_cast %swap3A_250 : vector<1x16xf32> to vector<16xf32>
        %swap3A_252 = vector.shape_cast %add3A_247 : vector<16xf32> to vector<1x16xf32>
        tpu.vector_store %arg9[%swap3A_248, %swap3A_249], %swap3A_252 {strides = array<i32>} : memref<128x64xf32, #tpu.memory_space<vmem>>, vector<1x16xf32>,
      }
      %scan3A_84 = arith.constant 128 : i32
      %add3A_85 = arith.constant 1 : i32
      %add3A_86 = arith.addi %mul3A_14, %add3A_85 : i32
      "tpu.region"() ({
        %run_scoped3A = tpu.sem_alloc : memref<!tpu.dma_semaphore, #tpu.memory_space<semaphore_mem>>
        %dma_start3A_87 = arith.constant 0 : i32
        %dma_start3A_88 = arith.constant 0 : i32
        %dma_start3A_89 = tpu.memref_slice %arg5[%add3A, %dma_start3A_87, %add3A_86, %dma_start3A_88] : memref<32x128x200x64xf32, #tpu.memory_space<hbm>> -> memref<1x128x1x64xf32, #tpu.memory_space<hbm>>
        %dma_start3A_90 = tpu.memref_squeeze %dma_start3A_89 : memref<1x128x1x64xf32, #tpu.memory_space<hbm>> -> memref<128x64xf32, #tpu.memory_space<hbm>>
        %dma_start3A_91 = arith.constant 0 : i32
        %dma_start3A_92 = arith.constant 0 : i32
        %dma_start3A_93 = tpu.memref_slice %arg5[%add3A, %dma_start3A_91, %add3A_86, %dma_start3A_92] : memref<32x128x200x64xf32, #tpu.memory_space<hbm>> -> memref<1x128x1x64xf32, #tpu.memory_space<hbm>>
        %dma_start3A_94 = tpu.memref_squeeze %dma_start3A_93 : memref<1x128x1x64xf32, #tpu.memory_space<hbm>> -> memref<128x64xf32, #tpu.memory_space<hbm>>
        tpu.enqueue_dma source(%arg9 : memref<128x64xf32, #tpu.memory_space<vmem>>) target(%dma_start3A_94 : memref<128x64xf32, #tpu.memory_space<hbm>>) target_semaphore(%run_scoped3A : memref<!tpu.dma_semaphore, #tpu.memory_space<semaphore_mem>>)
        %dma_wait3A_95 = arith.constant 0 : i32
        %dma_wait3A_96 = arith.constant 0 : i32
        %dma_wait3A_97 = tpu.memref_slice %arg5[%add3A, %dma_wait3A_95, %add3A_86, %dma_wait3A_96] : memref<32x128x200x64xf32, #tpu.memory_space<hbm>> -> memref<1x128x1x64xf32, #tpu.memory_space<hbm>>
        %dma_wait3A_98 = tpu.memref_squeeze %dma_wait3A_97 : memref<1x128x1x64xf32, #tpu.memory_space<hbm>> -> memref<128x64xf32, #tpu.memory_space<hbm>>
        %dma_wait3A_99 = arith.constant 0 : i32
        %dma_wait3A_100 = arith.constant 0 : i32
        %dma_wait3A_101 = tpu.memref_slice %arg5[%add3A, %dma_wait3A_99, %add3A_86, %dma_wait3A_100] : memref<32x128x200x64xf32, #tpu.memory_space<hbm>> -> memref<1x128x1x64xf32, #tpu.memory_space<hbm>>
        %dma_wait3A_102 = tpu.memref_squeeze %dma_wait3A_101 : memref<1x128x1x64xf32, #tpu.memory_space<hbm>> -> memref<128x64xf32, #tpu.memory_space<hbm>>
        tpu.wait_dma2 semaphore(%run_scoped3A : memref<!tpu.dma_semaphore, #tpu.memory_space<semaphore_mem>>) src(%arg9 : memref<128x64xf32, #tpu.memory_space<vmem>>) dst(%dma_wait3A_102 : memref<128x64xf32, #tpu.memory_space<hbm>>)
        tpu.yield
      }) : () -> ()
    }
    %scan3A_11 = arith.constant 100 : i32
    return
  }
}

</mosaic_0001>

<sc_bundles>
// kernel: kernel.3.cloned.1.call-start
scs
__scs_entry_jumppad:
0x0: {  	(pc) =	sbr.rel $0x88, $3  }
0x1: {  	(tag) =	ssettag $0x0;
	lr =	simm.s32 $0x1  }
0x2: {  	[smem:$0x3F9E] =	sst lr;
	_ =	strace $0xD0000000  }
0x3: {  	_ = 	snop  }
0x4: {  	_ = 	snop  }
0x5: {  	_ = 	snop  }
0x6: {  	_ = 	snop  }
0x7: {  	_ = 	snop  }
__scs_overlays_trampoline_lowered:
0x8: {  	[smem:$0x3FAD] =	sst s0  }
0x9: {  	[smem:$0x3FAE] =	sst s1  }
0xa: {  	[smem:$0x3FAF] =	sst s2  }
0xb: {  	[smem:$0x3FB0] =	sst s3  }
0xc: {  	[smem:$0x3FB1] =	sst s4  }
0xd: {  	[smem:$0x3FB2] =	sst s5  }
0xe: {  	[smem:$0x3FB3] =	sst s6  }
0xf: {  	[smem:$0x3FB4] =	sst s7  }
0x10: {  	[smem:$0x3FB5] =	sst s8  }
0x11: {  	[smem:$0x3FB6] =	sst s9;
	s0 =	simm.s32 @!p0 $0x0  }
0x12: {  	s1 =	sld [smem:$0x3F9C];
	s0 =	simm.s32 @p0 $0x1  }
0x13: {  	[smem:$0x3FB7] =	sst s0;
	s0 =	simm.s32 @!p1 $0x0  }
0x14: {  	s2 =	sld [smem:$0x3F9B];
	s0 =	simm.s32 @p1 $0x1  }
0x15: {  	[smem:$0x3FB8] =	sst s0;
	s0 =	simm.s32 @!p2 $0x0  }
0x16: {  	s3 =	sld [smem:$0x3FDB];
	s0 =	simm.s32 @p2 $0x1  }
0x17: {  	s4 =	simm.s32 $0x1BF5;
	[smem:$0x3FBA] =	sst s0  }
0x18: {  	s0 =	sld [smem:$0x3F9D];
	_ =	swait.ge [sflag:s4], $0x0  }
0x19: {  	s7 =	sld [smem:$0x3F9E]  }
0x1a: {  	s8 =	sadd.s32 $0xFFFFE003, lr  }
0x1b: {  	s9 =	sadd.s32 $0xFFFFFEF7, lr;
	s5 =	simm.s32 $0xFFFFFFFF;
	p2 =	slt.u32 s8, $0xFFFFF086  }
0x1c: {  	p1 =	slt.u32 s9, $0xF7A;
	s5 =	simm.s32 @!p2 $0x0  }
0x1d: {  	s5 =	simm.s32 @p1 $0x1;
	p0 =	seq.s32 s7, s2  }
0x1e: {  	s7 =	smul.u32 @!p0 $0xF7A, s2;
	p2 =	seq.s32 @!p0 s5, $0x0  }
0x1f: {  	s9 =	smul.u32 $0xF7A, s1;
	s8 =	simm.s32 @!p0 $0x1BF5;
	p2 =	por !p2, p0  }
0x20: {  	[sflag:s8] =	ssyncset.s32 @!p0 $0xFFFFF086;
	s6 =	sadd.s32 @!p0 s3, s7;
	s7 =	simm.s32 @!p0 $0x108  }
0x21: {  	s3 =	sadd.s32 s3, s9;
	s6 =	sadd.s32 @!p0 $0x88, s6;
	s7 =	simm.s32 @p2 $0x1082  }
0x22: {  	[simem:s7], [sflag:s8] =	dma.local @!p0 [hbm:s6], $0xF7A  }
0x23: {  	s9 =	sor.u32 $0xD0000000, s2;
	s6 =	simm.s32 $0x108;
	_ =	swait.ge @!p0 [sflag:s8], $0x0  }
0x24: {  	s3 =	sadd.s32 $0x88, s3;
	s6 =	simm.s32 @!p1 $0x1082;
	[sflag:s4] =	ssyncset.s32 $0xFFFFF086  }
0x25: {  	[simem:s6], [sflag:s4] =	dma.local [hbm:s3], $0xF7A  }
0x26: {  	[smem:$0x3F9E] =	sst s1;
	(tag) =	ssettag s2;
	_ =	strace s9  }
0x27: {  	s1 =	sld [smem:$0x3FAE]  }
0x28: {  	s2 =	sld [smem:$0x3FAF]  }
0x29: {  	s4 =	sld [smem:$0x3FB1]  }
0x2a: {  	p0 =	seq.s32 s5, $0x0;
	s5 =	sld [smem:$0x3FB2]  }
0x2b: {  	s6 =	sld [smem:$0x3FB3]  }
0x2c: {  	s7 =	sld [smem:$0x3FB4]  }
0x2d: {  	s3 =	simm.s32 $0x108;
	s8 =	sld [smem:$0x3FB5]  }
0x2e: {  	s3 =	simm.s32 @!p0 $0x1082;
	s9 =	sld [smem:$0x3FB6]  }
0x2f: {  	lr =	sadd.s32 s0, s3;
	s0 =	sld [smem:$0x3FAD]  }
0x30: {  	s3 =	sld [smem:$0x3FB0]  }
0x31: {  	[smem:$0x3FB9] =	sst s10  }
0x32: {  	s10 =	sld [smem:$0x3FB7];
	_ =	sdelay $0x3  }
0x33: {  	p0 =	seq.s32 s10, $0x1;
	s10 =	sld [smem:$0x3FB9];
	_ =	sdelay $0x3  }
0x34: {  	[smem:$0x3FB9] =	sst s10  }
0x35: {  	s10 =	sld [smem:$0x3FB8];
	_ =	sdelay $0x3  }
0x36: {  	p1 =	seq.s32 s10, $0x1;
	s10 =	sld [smem:$0x3FB9];
	_ =	sdelay $0x3  }
0x37: {  	[smem:$0x3FB9] =	sst s10  }
0x38: {  	s10 =	sld [smem:$0x3FBA]  }
0x39: {  	_ = 	snop;
	(pc) =	sbr.ind lr, $3  }
0x3a: {  	_ = 	snop  }
0x3b: {  	_ = 	snop  }
0x3c: {  	p2 =	seq.s32 s10, $0x1;
	s10 =	sld [smem:$0x3FB9]  }
0x3d: {  	_ =	shalt  }
0x3e: {  	_ =	shalt  }
0x3f: {  	_ =	shalt  }
0x40: {  	_ =	shalt  }
0x41: {  	_ =	shalt  }
0x42: {  	_ =	shalt  }
0x43: {  	_ =	shalt  }
0x44: {  	_ =	shalt  }
0x45: {  	_ =	shalt  }
0x46: {  	_ =	shalt  }
0x47: {  	_ =	shalt  }
0x48: {  	_ =	shalt  }
0x49: {  	_ =	shalt  }
0x4a: {  	_ =	shalt  }
0x4b: {  	_ =	shalt  }
0x4c: {  	_ =	shalt  }
0x4d: {  	_ =	shalt  }
0x4e: {  	_ =	shalt  }
0x4f: {  	_ =	shalt  }
0x50: {  	_ =	shalt  }
0x51: {  	_ =	shalt  }
0x52: {  	_ =	shalt  }
0x53: {  	_ =	shalt  }
0x54: {  	_ =	shalt  }
0x55: {  	_ =	shalt  }
0x56: {  	_ =	shalt  }
0x57: {  	_ =	shalt  }
0x58: {  	_ =	shalt  }
0x59: {  	_ =	shalt  }
0x5a: {  	_ =	shalt  }
0x5b: {  	_ =	shalt  }
0x5c: {  	_ =	shalt  }
0x5d: {  	_ =	shalt  }
0x5e: {  	_ =	shalt  }
0x5f: {  	_ =	shalt  }
0x60: {  	_ =	shalt  }
0x61: {  	_ =	shalt  }
0x62: {  	_ =	shalt  }
0x63: {  	_ =	shalt  }
0x64: {  	_ =	shalt  }
0x65: {  	_ =	shalt  }
0x66: {  	_ =	shalt  }
0x67: {  	_ =	shalt  }
0x68: {  	_ =	shalt  }
0x69: {  	_ =	shalt  }
0x6a: {  	_ =	shalt  }
0x6b: {  	_ =	shalt  }
0x6c: {  	_ =	shalt  }
0x6d: {  	_ =	shalt  }
0x6e: {  	_ =	shalt  }
0x6f: {  	_ =	shalt  }
0x70: {  	_ =	shalt  }
0x71: {  	_ =	shalt  }
0x72: {  	_ =	shalt  }
0x73: {  	_ =	shalt  }
0x74: {  	_ =	shalt  }
0x75: {  	_ =	shalt  }
0x76: {  	_ =	shalt  }
0x77: {  	_ =	shalt  }
0x78: {  	_ =	shalt  }
0x79: {  	_ =	shalt  }
0x7a: {  	_ =	shalt  }
0x7b: {  	_ =	shalt  }
0x7c: {  	_ =	shalt  }
0x7d: {  	_ =	shalt  }
0x7e: {  	_ =	shalt  }
0x7f: {  	_ =	shalt  }
0x80: {  	_ =	shalt  }
0x81: {  	_ =	shalt  }
0x82: {  	_ =	shalt  }
0x83: {  	_ =	shalt  }
0x84: {  	_ =	shalt  }
0x85: {  	_ =	shalt  }
0x86: {  	_ =	shalt  }
0x87: {  	_ =	shalt  }
.Lfunc_end0:
.L_simem_size_0:
called_computation.1_lowered:
.L_overlay_start_0:
0x88: {  	s2 =	sld [smem:$0x3FD9]  }
0x89: {  	s3 =	sld [smem:$0x3FFE];
	_ =	sdelay $0x1  }
0x8a: {  	s1 =	srdreg.scid  }
0x8b: {  	s0 =	sand.u32 $0x1, s1  }
0x8c: {  	s17 =	sshll.u32 s0, $0xA;
	s2 =	sadd.s32 s3, s2  }
0x8d: {  	s2 =	sadd.s32 s2, s17  }
0x8e: {  	[smem:$0x3FC5] =	sst s2  }
0x8f: {  	_ = 	snop  }
0x90: {  	s2 =	sld [smem:$0x3FD0];
	(tm) =	ssettm $0x1  }
0x91: {  	s18 =	sld [smem:$0x3FFB];
	_ =	sdelay $0x3  }
0x92: {  	_ =	strace s18  }
0x93: {  	s3 =	sld [smem:$0x3FFC];
	_ =	sdelay $0x3  }
0x94: {  	_ =	strace s3  }
0x95: {  	s3 =	sld [smem:$0x3FFD];
	_ =	sdelay $0x3  }
0x96: {  	_ =	strace s3  }
0x97: {  	_ =	strace $0x8FFFFFFF  }
0x98: {  	s19 =	sld [smem:$0x3FDB];
	_ =	sdelay $0x1  }
0x99: {  	s4 =	simm.s32 $_scs_section_size  }
0x9a: {  	s5 =	simm.s32 $_size__tile_overlayer_lowered;
	s6 =	simm.s32 $_tile_overlayer_lowered  }
0x9b: {  	s22 =	simm.s32 $0x1BFF;
	s21 =	sshll.u32 s6, $0x1;
	s3 =	sadd.s32 s4, s19  }
0x9c: {  	s7 =	simm.s32 $0x0;
	s20 =	sshll.u32 s5, $0x1;
	s5 =	sadd.s32 s21, s3  }
0x9d: {  	[timem:s7], [sflag:s22] =	dma.local [hbm:s5], s20  }
0x9e: {  	_ =	swait.ge [sflag:s22], s20  }
0x9f: {  	s4 =	ssub.s32 $0x0, s20;
	[sflag:s22] =	ssyncset.done $0x0  }
0xa0: {  	[sflag:s22] =	ssyncadd.s32 s4;
	_ =	sdelay $0x1  }
0xa1: {  	s23 =	simm.s32 $0x1B8B  }
0xa2: {  	_ =	swait.ge [sflag:s23], $0x1  }
0xa3: {  	[sflag:s23] =	ssyncset.done $0x0  }
0xa4: {  	s25 =	simm.s32 $0x1B8E;
	s24 =	sld [smem:$0x3FFE];
	[sflag:s23] =	ssyncadd.s32 $0xFFFFFFFF  }
0xa5: {  	s26 =	simm.s32 $execute0_lowered;
	[smem:$0x3FD2] =	sst s25  }
0xa6: {  	s5 =	sshll.u32 s26, $0x1;
	_ =	strace $0x80000046;
	[dreg:$0x1] =	wrdreg $0xFFFFFFFF  }
0xa7: {  	s28 =	simm.s32 $_size_execute0_lowered;
	s3 =	sadd.s32 s3, s5;
	[dreg:$0x0] =	wrdreg $0x0  }
0xa8: {  	s5 =	sshll.u32 s28, $0x1;
	[dreg:$0x2] =	wrdreg s3  }
0xa9: {  	[dreg:$0x3] =	wrdreg s5  }
0xaa: {  	[dreg:$0x4] =	wrdreg $0xC0  }
0xab: {  	_ =	task [dreg:s7], $0x5FFFF  }
0xac: {  	[dreg:$0x1] =	wrdreg $0xFFFFFFFF  }
0xad: {  	[dreg:$0x0] =	wrdreg $0x60  }
0xae: {  	[dreg:$0x2] =	wrdreg s24  }
0xaf: {  	[dreg:$0x3] =	wrdreg s2  }
0xb0: {  	[dreg:$0x4] =	wrdreg $0x9  }
0xb1: {  	_ =	task.clear_ibuf [dreg:s7], $0x5FFFF;
	_ =	strace $0x90000046  }
0xb2: {  	s29 =	simm.s32 $0x9;
	_ =	strace $0x80000048  }
0xb3: {  	_ =	swait.ge [sflag:s29], $0x1  }
0xb4: {  	[sflag:s29] =	ssyncadd.s32 $0xFFFFFFFF  }
0xb5: {  	_ =	strace $0x90000048  }
0xb6: {  	_ =	sfence  }
0xb7: {  	s30 =	sld [smem:$0x0];
	_ =	sdelay $0x2  }
0xb8: {  	s31 =	sshll.u32 s1, $0xD;
	s1 =	sshrl.u32 s1, $0x2  }
0xb9: {  	s3 =	sand.u32 $0x4000, s31;
	s1 =	sadd.s32 s1, s30  }
0xba: {  	s0 =	sor.u32 s3, s0;
	s1 =	sshll.u32 s1, $0x11  }
0xbb: {  	s0 =	sor.u32 s1, s0  }
0xbc: {  	s0 =	sadd.s32 $0x8F2B, s0  }
0xbd: {  	[sflag:s0] =	ssyncadd.remote.s32 $0x1  }
0xbe: {  	_ =	sfence.sel $0xFFFF  }
0xbf: {  	[dreg:$0x0] =	wrdreg $0xFFFFFFFF;
	(pc) =	sbr.abs _section_cstart, $3  }
0xc0: {  	[dreg:$0x1] =	wrdreg $0xFFFFFFFF  }
0xc1: {  	_ =	task.clear_ibuf [dreg:s7], $0x2FFFF;
	_ =	strace $0x9FFFFFFF  }
0xc2: {  	(tm) =	ssettm $0x7FFFFFFF  }
0xc3: {  	_ =	shalt  }
tec
execute0_lowered:
.L_overlay_start_1:
0x0: {  	(tag) =	ssettag $0x1  }
0x1: {  	s5 =	rddreg [dreg:$0x0];
	s1 =	srdreg.scid  }
0x2: {  	s0 =	stileid.u32;
	s2 =	rddreg [dreg:$0x1]  }
0x3: {  	s3 =	simm.s32 $0x0;
	s10 =	simm.s32 $0x6400;
	s11 =	simm.s32 $0x80  }
0x4: {  	s12 =	simm.s32 $0x9600;
	s13 =	simm.s32 $0xB600;
	s14 =	simm.s32 $0x1  }
0x5: {  	s15 =	simm.s32 $0x40;
	s16 =	simm.s32 $0x3200;
	s17 =	simm.s32 $0x2  }
0x6: {  	s4 =	sand.u32 $0x1, s1;
	s6 =	sshll.u32 s0, $0x1;
	s1 =	rddreg [dreg:$0x2]  }
0x7: {  	s18 =	simm.s32 $0x0;
	[smem:$0x7FF] =	sst s3;
	s7 =	sor.u32 s4, s6  }
0x8: {  	_ =	strace $0x80000047;
	s8 =	ssub.s32 $0x2, s4;
	s6 =	smul.u32 $0xC80, s7  }
0x9: {  	s4 =	sadd.s32 $0x19C00, s5;
	s9 =	sshrl.u32 s8, $0x1;
	s7 =	smul.u32 $0x190000, s7  }
0xa: {  	s8 =	ssub.s32 s8, s9;
	s9 =	simm.s32 $0x3;
	s6 =	sadd.s32 s6, s5  }
0xb: {  	s5 =	sadd.s32 $0xF43000, s5;
	s8 =	smax.u32 s8, $0x1;
	s6 =	sadd.s32 $0xC00, s6  }
.LBB2_1:
0xc: {  	[tilespmem:s3], [sflag:$0x3] =	stream.linear.gather [hbm4b:s6+s3], $0x6400, $0x38;
	[tilespmem:$0xD600] =	vst v63  }
0xd: {  	_ =	swait.ge [sflag:s9], $0x6400  }
0xe: {  	[sflag:s9] =	ssyncset.done $0x0  }
0xf: {  	[sflag:s9] =	ssyncadd.s32 $0xFFFF9C00  }
0x10: {  	[tilespmem:s10], [sflag:$0x3] =	stream.linear.gather [hbm4b:s4+s3], $0x3200, $0x38;
	[tilespmem:$0xD600] =	vst v63  }
0x11: {  	_ =	swait.ge [sflag:s9], $0x3200  }
0x12: {  	[sflag:s9] =	ssyncset.done $0x0  }
0x13: {  	s19 =	simm.s32 $0x0;
	[sflag:s9] =	ssyncadd.s32 $0xFFFFCE00  }
0x14: {  	[tilespmem:s12], [sflag:$0x1] =	stream.indirect.gather [hbm4b:s5+s11], $0x40, s3, s11, $0xb8;
	[tilespmem:$0xD600] =	vst v63  }
.LBB2_2:
0x15: {  	s20 =	sshllo.u32 s19, $0x1  }
0x16: {  	s21 =	sshll.u32 s20, $0x7  }
0x17: {  	s21 =	sand.u32 $0x3FFFFF80, s21  }
0x18: {  	[tilespmem:s13], [sflag:$0x2] =	stream.indirect.gather [hbm4b:s5+s11], $0x40, s21, s11, $0xb8;
	[tilespmem:$0xD600] =	vst v63  }
0x19: {  	_ =	swait.ge [sflag:s14], $0x2000  }
0x1a: {  	[sflag:s14] =	ssyncset.done $0x0  }
0x1b: {  	s21 =	sshll.u32 s19, $0x7;
	[sflag:s14] =	ssyncadd.s32 $0xFFFFE000  }
0x1c: {  	v3 =	vld [tilespmem:s21+$0x6400]  }
0x1d: {  	v2 =	vld [tilespmem:s21+$0x6410]  }
0x1e: {  	v1 =	vld [tilespmem:s21+$0x6420]  }
0x1f: {  	s22 =	simm.s32 $0x9680;
	v0 =	vld [tilespmem:s21+$0x6430]  }
0x20: {  	v4 =	vld [tilespmem:s22+$0xFFFFFF80]  }
0x21: {  	v5 =	vld [tilespmem:s22+$0xFFFFFF90]  }
0x22: {  	v6 =	vld [tilespmem:s22+$0xFFFFFFA0]  }
0x23: {  	v7 =	vld [tilespmem:s22+$0xFFFFFFB0]  }
0x24: {  	v8 =	vld [tilespmem:s22+$0xFFFFFFC0]  }
0x25: {  	v9 =	vld [tilespmem:s22+$0xFFFFFFD0];
	v4 =	vadd.f32 v4, v3  }
0x26: {  	v10 =	vld [tilespmem:s22+$0xFFFFFFE0];
	v5 =	vadd.f32 v5, v2  }
0x27: {  	[tilespmem:s22+$0xFFFFFF80] =	vst v4;
	v4 =	vadd.f32 v6, v1;
	v6 =	vld [tilespmem:s22+$0x0]  }
0x28: {  	[tilespmem:s22+$0xFFFFFF90] =	vst v5;
	v5 =	vadd.f32 v7, v0;
	v7 =	vld [tilespmem:s22+$0x10]  }
0x29: {  	[tilespmem:s22+$0xFFFFFFA0] =	vst v4;
	v4 =	vadd.f32 v8, v3;
	v8 =	vld [tilespmem:s22+$0x20]  }
0x2a: {  	v11 =	vld [tilespmem:s22+$0x30];
	[tilespmem:s22+$0xFFFFFFB0] =	vst v5;
	v5 =	vadd.f32 v9, v2  }
0x2b: {  	v9 =	vadd.f32 v10, v1;
	[tilespmem:s22+$0xFFFFFFC0] =	vst v4;
	v4 =	vld [tilespmem:s22+$0x40]  }
0x2c: {  	[tilespmem:s22+$0xFFFFFFD0] =	vst v5;
	v5 =	vld [tilespmem:s22+$0x50];
	v6 =	vadd.f32 v6, v3  }
0x2d: {  	[tilespmem:s22+$0xFFFFFFE0] =	vst v9;
	v10 =	vadd.f32 v7, v2;
	v7 =	vld [tilespmem:s22+$0x60]  }
0x2e: {  	[tilespmem:s22+$0x0] =	vst v6;
	v9 =	vadd.f32 v8, v1;
	v8 =	vld [tilespmem:s22+$0x70]  }
0x2f: {  	s23 =	simm.s32 $0x0;
	s24 =	simm.s32 $0x9780;
	v6 =	vld [tilespmem:s22+$0xFFFFFFF0];
	[tilespmem:s22+$0x10] =	vst v10;
	v10 =	vadd.f32 v11, v0  }
.LBB2_3:
0x30: {  	v11 =	vld [tilespmem:s24+$0xFFFFFF80];
	[tilespmem:s22+$0x20] =	vst v9;
	v4 =	vadd.f32 v4, v3  }
0x31: {  	v9 =	vld [tilespmem:s24+$0xFFFFFF90];
	[tilespmem:s22+$0x30] =	vst v10;
	v5 =	vadd.f32 v5, v2  }
0x32: {  	v10 =	vld [tilespmem:s24+$0xFFFFFFA0];
	[tilespmem:s22+$0x40] =	vst v4;
	v4 =	vadd.f32 v7, v1  }
0x33: {  	v7 =	vld [tilespmem:s24+$0xFFFFFFB0];
	[tilespmem:s22+$0x50] =	vst v5;
	v5 =	vadd.f32 v8, v0  }
0x34: {  	v8 =	vld [tilespmem:s24+$0xFFFFFFC0];
	v6 =	vadd.f32 v6, v0;
	[tilespmem:s22+$0x60] =	vst v4  }
0x35: {  	v4 =	vadd.f32 v11, v3;
	v11 =	vld [tilespmem:s24+$0xFFFFFFD0];
	[tilespmem:s22+$0x70] =	vst v5  }
0x36: {  	v5 =	vadd.f32 v9, v2;
	v9 =	vld [tilespmem:s24+$0xFFFFFFE0];
	[tilespmem:s22+$0xFFFFFFF0] =	vst v6;
	s22 =	smov.u32 s24  }
0x37: {  	[tilespmem:s24+$0xFFFFFF80] =	vst v4;
	v4 =	vadd.f32 v10, v1;
	v6 =	vld [tilespmem:s24+$0x0]  }
0x38: {  	[tilespmem:s24+$0xFFFFFF90] =	vst v5;
	v5 =	vadd.f32 v7, v0;
	v7 =	vld [tilespmem:s24+$0x10]  }
0x39: {  	s23 =	sadd.s32 $0x4, s23;
	[tilespmem:s24+$0xFFFFFFA0] =	vst v4;
	v4 =	vadd.f32 v8, v3;
	v8 =	vld [tilespmem:s24+$0x20]  }
0x3a: {  	p0 =	slt.u32 s23, $0x7C;
	[tilespmem:s24+$0xFFFFFFB0] =	vst v5;
	v5 =	vadd.f32 v11, v2;
	v10 =	vld [tilespmem:s24+$0x30]  }
.Ltmp0:
0x3b: {  	[tilespmem:s24+$0xFFFFFFC0] =	vst v4;
	v9 =	vadd.f32 v9, v1;
	v4 =	vld [tilespmem:s24+$0x40];
	(pc) =	sbr.rel @p0 .LBB2_3-.Ltmp0, $4  }
0x3c: {  	[tilespmem:s24+$0xFFFFFFD0] =	vst v5;
	v6 =	vadd.f32 v6, v3;
	v5 =	vld [tilespmem:s24+$0x50]  }
0x3d: {  	[tilespmem:s24+$0xFFFFFFE0] =	vst v9;
	v11 =	vadd.f32 v7, v2;
	v7 =	vld [tilespmem:s24+$0x60]  }
0x3e: {  	[tilespmem:s24+$0x0] =	vst v6;
	v9 =	vadd.f32 v8, v1;
	v8 =	vld [tilespmem:s24+$0x70]  }
0x3f: {  	s24 =	sadd.s32 $0x100, s24;
	v6 =	vld [tilespmem:s22+$0xFFFFFFF0];
	[tilespmem:s22+$0x10] =	vst v11;
	v10 =	vadd.f32 v10, v0  }
0x40: {  	[tilespmem:s22+$0x20] =	vst v9;
	v3 =	vadd.f32 v4, v3  }
0x41: {  	[tilespmem:s22+$0x30] =	vst v10;
	v2 =	vadd.f32 v5, v2  }
0x42: {  	[tilespmem:s22+$0x40] =	vst v3;
	v1 =	vadd.f32 v7, v1  }
0x43: {  	[tilespmem:s22+$0x50] =	vst v2;
	v2 =	vadd.f32 v8, v0  }
0x44: {  	s21 =	sor.u32 s7, s21;
	v0 =	vadd.f32 v6, v0;
	[tilespmem:s22+$0x60] =	vst v1  }
0x45: {  	s21 =	sshrl.u32 s21, $0x3;
	[tilespmem:s22+$0x70] =	vst v2  }
0x46: {  	p0 =	seq.s32 s19, $0x63;
	s21 =	sadd.s32 s2, s21;
	[tilespmem:s22+$0xFFFFFFF0] =	vst v0  }
0x47: {  	[hbm4b:s21+s15] =	stream.strided.scatter [tilespmem:s12], [sflag:$0x3], $0x2000, s16, s15, $0x38;
	[tilespmem:$0xD600] =	vst v63  }
0x48: {  	s21 =	sshll.u32 @!p0 s19, $0x8;
	_ =	swait.ge [sflag:s9], $0x2000  }
0x49: {  	s23 =	simm.s32 @!p0 $0x9600;
	s21 =	sand.u32 @!p0 $0x3FFFFF00, s21;
	[sflag:s9] =	ssyncset.done $0x0  }
0x4a: {  	s22 =	simm.s32 @!p0 $0x80;
	s21 =	sadd.s32 @!p0 $0x100, s21;
	[sflag:s9] =	ssyncadd.s32 $0xFFFFE000  }
0x4b: {  	[tilespmem:s23], [sflag:$0x1] =	stream.indirect.gather @!p0 [hbm4b:s5+s22], $0x40, s21, s22, $0xb8;
	[tilespmem:$0xD600] =	vst v63  }
0x4c: {  	_ =	swait.ge [sflag:s17], $0x2000  }
0x4d: {  	[sflag:s17] =	ssyncset.done $0x0  }
0x4e: {  	s20 =	sshll.u32 s20, $0x6;
	[sflag:s17] =	ssyncadd.s32 $0xFFFFE000  }
0x4f: {  	v3 =	vld [tilespmem:s20+$0x6400]  }
0x50: {  	v2 =	vld [tilespmem:s20+$0x6410]  }
0x51: {  	v1 =	vld [tilespmem:s20+$0x6420]  }
0x52: {  	s21 =	simm.s32 $0xB680;
	v0 =	vld [tilespmem:s20+$0x6430]  }
0x53: {  	v4 =	vld [tilespmem:s21+$0xFFFFFF80]  }
0x54: {  	v5 =	vld [tilespmem:s21+$0xFFFFFF90]  }
0x55: {  	v6 =	vld [tilespmem:s21+$0xFFFFFFA0]  }
0x56: {  	v7 =	vld [tilespmem:s21+$0xFFFFFFB0]  }
0x57: {  	v8 =	vld [tilespmem:s21+$0xFFFFFFC0]  }
0x58: {  	v9 =	vld [tilespmem:s21+$0xFFFFFFD0];
	v4 =	vadd.f32 v4, v3  }
0x59: {  	v10 =	vld [tilespmem:s21+$0xFFFFFFE0];
	v5 =	vadd.f32 v5, v2  }
0x5a: {  	[tilespmem:s21+$0xFFFFFF80] =	vst v4;
	v4 =	vadd.f32 v6, v1;
	v6 =	vld [tilespmem:s21+$0x0]  }
0x5b: {  	[tilespmem:s21+$0xFFFFFF90] =	vst v5;
	v5 =	vadd.f32 v7, v0;
	v7 =	vld [tilespmem:s21+$0x10]  }
0x5c: {  	[tilespmem:s21+$0xFFFFFFA0] =	vst v4;
	v4 =	vadd.f32 v8, v3;
	v8 =	vld [tilespmem:s21+$0x20]  }
0x5d: {  	v11 =	vld [tilespmem:s21+$0x30];
	[tilespmem:s21+$0xFFFFFFB0] =	vst v5;
	v5 =	vadd.f32 v9, v2  }
0x5e: {  	v9 =	vadd.f32 v10, v1;
	[tilespmem:s21+$0xFFFFFFC0] =	vst v4;
	v4 =	vld [tilespmem:s21+$0x40]  }
0x5f: {  	[tilespmem:s21+$0xFFFFFFD0] =	vst v5;
	v5 =	vld [tilespmem:s21+$0x50];
	v6 =	vadd.f32 v6, v3  }
0x60: {  	[tilespmem:s21+$0xFFFFFFE0] =	vst v9;
	v10 =	vadd.f32 v7, v2;
	v7 =	vld [tilespmem:s21+$0x60]  }
0x61: {  	[tilespmem:s21+$0x0] =	vst v6;
	v9 =	vadd.f32 v8, v1;
	v8 =	vld [tilespmem:s21+$0x70]  }
0x62: {  	s22 =	simm.s32 $0x0;
	s23 =	simm.s32 $0xB780;
	v6 =	vld [tilespmem:s21+$0xFFFFFFF0];
	[tilespmem:s21+$0x10] =	vst v10;
	v10 =	vadd.f32 v11, v0  }
.LBB2_5:
0x63: {  	v11 =	vld [tilespmem:s23+$0xFFFFFF80];
	[tilespmem:s21+$0x20] =	vst v9;
	v4 =	vadd.f32 v4, v3  }
0x64: {  	v9 =	vld [tilespmem:s23+$0xFFFFFF90];
	[tilespmem:s21+$0x30] =	vst v10;
	v5 =	vadd.f32 v5, v2  }
0x65: {  	v10 =	vld [tilespmem:s23+$0xFFFFFFA0];
	[tilespmem:s21+$0x40] =	vst v4;
	v4 =	vadd.f32 v7, v1  }
0x66: {  	v7 =	vld [tilespmem:s23+$0xFFFFFFB0];
	[tilespmem:s21+$0x50] =	vst v5;
	v5 =	vadd.f32 v8, v0  }
0x67: {  	v8 =	vld [tilespmem:s23+$0xFFFFFFC0];
	v6 =	vadd.f32 v6, v0;
	[tilespmem:s21+$0x60] =	vst v4  }
0x68: {  	v4 =	vadd.f32 v11, v3;
	v11 =	vld [tilespmem:s23+$0xFFFFFFD0];
	[tilespmem:s21+$0x70] =	vst v5  }
0x69: {  	v5 =	vadd.f32 v9, v2;
	v9 =	vld [tilespmem:s23+$0xFFFFFFE0];
	[tilespmem:s21+$0xFFFFFFF0] =	vst v6;
	s21 =	smov.u32 s23  }
0x6a: {  	[tilespmem:s23+$0xFFFFFF80] =	vst v4;
	v4 =	vadd.f32 v10, v1;
	v6 =	vld [tilespmem:s23+$0x0]  }
0x6b: {  	[tilespmem:s23+$0xFFFFFF90] =	vst v5;
	v5 =	vadd.f32 v7, v0;
	v7 =	vld [tilespmem:s23+$0x10]  }
0x6c: {  	s22 =	sadd.s32 $0x4, s22;
	[tilespmem:s23+$0xFFFFFFA0] =	vst v4;
	v4 =	vadd.f32 v8, v3;
	v8 =	vld [tilespmem:s23+$0x20]  }
0x6d: {  	p0 =	slt.u32 s22, $0x7C;
	[tilespmem:s23+$0xFFFFFFB0] =	vst v5;
	v5 =	vadd.f32 v11, v2;
	v10 =	vld [tilespmem:s23+$0x30]  }
.Ltmp1:
0x6e: {  	[tilespmem:s23+$0xFFFFFFC0] =	vst v4;
	v9 =	vadd.f32 v9, v1;
	v4 =	vld [tilespmem:s23+$0x40];
	(pc) =	sbr.rel @p0 .LBB2_5-.Ltmp1, $4  }
0x6f: {  	[tilespmem:s23+$0xFFFFFFD0] =	vst v5;
	v6 =	vadd.f32 v6, v3;
	v5 =	vld [tilespmem:s23+$0x50]  }
0x70: {  	[tilespmem:s23+$0xFFFFFFE0] =	vst v9;
	v11 =	vadd.f32 v7, v2;
	v7 =	vld [tilespmem:s23+$0x60]  }
0x71: {  	[tilespmem:s23+$0x0] =	vst v6;
	v9 =	vadd.f32 v8, v1;
	v8 =	vld [tilespmem:s23+$0x70]  }
0x72: {  	s23 =	sadd.s32 $0x100, s23;
	v6 =	vld [tilespmem:s21+$0xFFFFFFF0];
	[tilespmem:s21+$0x10] =	vst v11;
	v10 =	vadd.f32 v10, v0  }
0x73: {  	[tilespmem:s21+$0x20] =	vst v9;
	v3 =	vadd.f32 v4, v3  }
0x74: {  	[tilespmem:s21+$0x30] =	vst v10;
	v2 =	vadd.f32 v5, v2  }
0x75: {  	[tilespmem:s21+$0x40] =	vst v3;
	v1 =	vadd.f32 v7, v1  }
0x76: {  	[tilespmem:s21+$0x50] =	vst v2;
	v62 =	vadd.f32 v8, v0  }
0x77: {  	s20 =	sor.u32 s7, s20;
	s19 =	sadd.s32 $0x1, s19;
	v63 =	vadd.f32 v6, v0;
	[tilespmem:s21+$0x60] =	vst v1  }
0x78: {  	s20 =	sshrl.u32 s20, $0x3;
	p0 =	sne.s32 s19, $0x64;
	[tilespmem:s21+$0x70] =	vst v62  }
.Ltmp2:
0x79: {  	s20 =	sadd.s32 s2, s20;
	[tilespmem:s21+$0xFFFFFFF0] =	vst v63;
	(pc) =	sbr.rel @p0 .LBB2_2-.Ltmp2, $4  }
0x7a: {  	[hbm4b:s20+s15] =	stream.strided.scatter [tilespmem:s13], [sflag:$0x3], $0x2000, s16, s15, $0x38;
	[tilespmem:$0xD600] =	vst v63  }
0x7b: {  	_ =	swait.ge [sflag:s9], $0x2000  }
0x7c: {  	[sflag:s9] =	ssyncset.done $0x0  }
0x7d: {  	[sflag:s9] =	ssyncadd.s32 $0xFFFFE000  }
0x7e: {  	s18 =	sadd.s32 $0x1, s18  }
0x7f: {  	p0 =	sne.s32 s18, s8  }
.Ltmp3:
0x80: {  	_ = 	snop;
	(pc) =	sbr.rel @p0 .LBB2_1-.Ltmp3, $1  }
0x81: {  	_ =	sdelay $0x3  }
0x82: {  	_ =	sfence.sel $0x180000  }
0x83: {  	[bflag:$0x0] =	sbarrier.arrive $0xFFFF  }
0x84: {  	p0 =	sne.s32 s0, $0x0;
	_ =	strace $0x90000047  }
0x85: {  	s0 =	sadd.s32 @!p0 $0x100000, s1;
	[bflag:$0x2] =	sbarrier.arrive $0xFFFF  }
0x86: {  	[sflag:s0] =	ssyncadd.tile.s32 @!p0 $0x1;
	_ =	shalt  }
.Lfunc_end2:
_tile_overlayer_lowered:
.L_overlay_start_2:
0x87: {  	(tag) =	ssettag $0x2  }
0x88: {  	s0 =	rddreg [dreg:$0x0];
	s2 =	stileid.u32  }
0x89: {  	s1 =	rddreg [dreg:$0x1];
	p0 =	sne.s32 s2, $0x0  }
0x8a: {  	s3 =	rddreg [dreg:$0x2];
	[bflag:$0x3] =	sbarrier.arrive $0xFFFF;
	s2 =	simm.s32 @!p0 $0x1C03  }
0x8b: {  	[timem:s3], [sflag:s2] =	dma.local @!p0 [hbm:s0], s1  }
0x8c: {  	s0 =	simm.s32 @!p0 $0x3  }
0x8d: {  	_ =	swait.ge @!p0 [sflag:s0], s1  }
0x8e: {  	s1 =	ssub.s32 @!p0 $0x0, s1;
	[sflag:s0] =	ssyncset.done @!p0 $0x0  }
0x8f: {  	[sflag:s0] =	ssyncadd.s32 @!p0 s1  }
0x90: {  	[bflag:$0x3] =	sbarrier.arrive $0xFFFF  }
0x91: {  	_ =	shalt  }

// kernel: sparse-core-data-format-call.cloned.1.call-start
scs
called_computation_lowered:
.L_overlay_start_0:
0x0: {  	s2 =	sld [smem:$0x3FD9]  }
0x1: {  	s3 =	sld [smem:$0x3FFE];
	_ =	sdelay $0x1  }
0x2: {  	s1 =	srdreg.scid  }
0x3: {  	s0 =	sand.u32 $0x1, s1  }
0x4: {  	s18 =	sshll.u32 s0, $0xA;
	s2 =	sadd.s32 s3, s2  }
0x5: {  	s2 =	sadd.s32 s2, s18  }
0x6: {  	[smem:$0x3FC5] =	sst s2  }
0x7: {  	_ = 	snop  }
0x8: {  	s2 =	sld [smem:$0x3FD0];
	(tm) =	ssettm $0x1  }
0x9: {  	s19 =	sld [smem:$0x3FFB];
	_ =	sdelay $0x3  }
0xa: {  	_ =	strace s19  }
0xb: {  	s3 =	sld [smem:$0x3FFC];
	_ =	sdelay $0x3  }
0xc: {  	_ =	strace s3  }
0xd: {  	s3 =	sld [smem:$0x3FFD];
	_ =	sdelay $0x3  }
0xe: {  	_ =	strace s3  }
0xf: {  	_ =	strace $0x8FFFFFFF  }
0x10: {  	s20 =	sld [smem:$0x3FDB];
	_ =	sdelay $0x1  }
0x11: {  	s4 =	simm.s32 $_scs_section_size  }
0x12: {  	s5 =	simm.s32 $_size__tile_overlayer_lowered;
	s6 =	simm.s32 $_tile_overlayer_lowered  }
0x13: {  	s23 =	simm.s32 $0x1BFF;
	s22 =	sshll.u32 s6, $0x1;
	s3 =	sadd.s32 s4, s20  }
0x14: {  	s7 =	simm.s32 $0x0;
	s21 =	sshll.u32 s5, $0x1;
	s5 =	sadd.s32 s22, s3  }
0x15: {  	[timem:s7], [sflag:s23] =	dma.local [hbm:s5], s21  }
0x16: {  	_ =	swait.ge [sflag:s23], s21  }
0x17: {  	s4 =	ssub.s32 $0x0, s21;
	[sflag:s23] =	ssyncset.done $0x0  }
0x18: {  	[sflag:s23] =	ssyncadd.s32 s4;
	_ =	sdelay $0x1  }
0x19: {  	s24 =	simm.s32 $0x1B8B  }
0x1a: {  	_ =	swait.ge [sflag:s24], $0x1  }
0x1b: {  	[sflag:s24] =	ssyncset.done $0x0  }
0x1c: {  	s26 =	simm.s32 $0x1B8E;
	s25 =	sld [smem:$0x3FFE];
	[sflag:s24] =	ssyncadd.s32 $0xFFFFFFFF  }
0x1d: {  	s27 =	simm.s32 $execute0_lowered;
	[smem:$0x3FD2] =	sst s26  }
0x1e: {  	s5 =	sshll.u32 s27, $0x1;
	_ =	strace $0x80000049;
	[dreg:$0x1] =	wrdreg $0xFFFFFFFF  }
0x1f: {  	s28 =	simm.s32 $_size_execute0_lowered;
	s3 =	sadd.s32 s3, s5;
	[dreg:$0x0] =	wrdreg $0x0  }
0x20: {  	s5 =	sshll.u32 s28, $0x1;
	[dreg:$0x2] =	wrdreg s3  }
0x21: {  	[dreg:$0x3] =	wrdreg s5  }
0x22: {  	[dreg:$0x4] =	wrdreg $0xC0  }
0x23: {  	_ =	task [dreg:s7], $0x5FFFF  }
0x24: {  	[dreg:$0x1] =	wrdreg $0xFFFFFFFF  }
0x25: {  	[dreg:$0x0] =	wrdreg $0x60  }
0x26: {  	[dreg:$0x2] =	wrdreg s25  }
0x27: {  	[dreg:$0x3] =	wrdreg s2  }
0x28: {  	[dreg:$0x4] =	wrdreg $0x9  }
0x29: {  	_ =	task.clear_ibuf [dreg:s7], $0x5FFFF;
	_ =	strace $0x90000049  }
0x2a: {  	s29 =	simm.s32 $0x9;
	_ =	strace $0x8000004B  }
0x2b: {  	_ =	swait.ge [sflag:s29], $0x1  }
0x2c: {  	[sflag:s29] =	ssyncadd.s32 $0xFFFFFFFF  }
0x2d: {  	_ =	strace $0x9000004B  }
0x2e: {  	_ =	sfence  }
0x2f: {  	s30 =	sld [smem:$0x0];
	_ =	sdelay $0x2  }
0x30: {  	s31 =	sshll.u32 s1, $0xD;
	s1 =	sshrl.u32 s1, $0x2  }
0x31: {  	s3 =	sand.u32 $0x4000, s31;
	s1 =	sadd.s32 s1, s30  }
0x32: {  	s0 =	sor.u32 s3, s0;
	s1 =	sshll.u32 s1, $0x11  }
0x33: {  	s0 =	sor.u32 s1, s0  }
0x34: {  	s0 =	sadd.s32 $0x8F2B, s0  }
0x35: {  	[sflag:s0] =	ssyncadd.remote.s32 $0x1  }
0x36: {  	_ =	sfence.sel $0xFFFF  }
0x37: {  	[dreg:$0x0] =	wrdreg $0xFFFFFFFF;
	(pc) =	sbr.abs _section_cstart, $3  }
0x38: {  	[dreg:$0x1] =	wrdreg $0xFFFFFFFF  }
0x39: {  	_ =	task.clear_ibuf [dreg:s7], $0x2FFFF;
	_ =	strace $0x9FFFFFFF  }
0x3a: {  	(tm) =	ssettm $0x7FFFFFFF  }
0x3b: {  	_ =	shalt  }
tec
execute0_lowered:
.L_overlay_start_1:
0x0: {  	(tag) =	ssettag $0x1  }
0x1: {  	s0 =	srdreg.scid  }
0x2: {  	s1 =	sshll.u32 s0, $0x4  }
0x3: {  	s0 =	stileid.u32;
	s1 =	sand.u32 $0x10, s1  }
0x4: {  	s1 =	sor.u32 s0, s1  }
0x5: {  	s6 =	rddreg [dreg:$0x0];
	s4 =	simm.s32 $0x1;
	s2 =	sshll.u32 s1, $0x7  }
0x6: {  	s7 =	simm.s32 $0x2;
	s12 =	simm.s32 $0x0;
	s1 =	ssub.s32 $0x1000, s2  }
0x7: {  	s8 =	simm.s32 $0x8000;
	s13 =	simm.s32 $0x0;
	s3 =	sand.u32 $0xF80, s1  }
0x8: {  	s9 =	simm.s32 $0x0;
	s5 =	sshrl.u32 s1, $0xC;
	p0 =	sne.s32 s3, $0x0  }
.Ltmp0:
0x9: {  	s1 =	rddreg [dreg:$0x2];
	s4 =	simm.s32 @!p0 $0x0;
	(pc) =	sbr.rel .LBB1_1-.Ltmp0, $4  }
0xa: {  	s11 =	simm.s32 $0x0;
	s3 =	rddreg [dreg:$0x1];
	s5 =	sadd.s32 s4, s5  }
0xb: {  	_ =	strace $0x8000004A;
	s4 =	simm.s32 $0x1;
	s5 =	smul.u32 $0xC8, s5  }
0xc: {  	s6 =	sadd.s32 $0xC00, s6;
	s10 =	smov.u32 s2;
	[sflag:s4] =	ssyncpa.u1 $0x0  }
0xd: {  	p0 =	por $0x0, $0x0;
	[sflag:s7] =	ssyncpa.u1 $0x0;
	s7 =	sor.u32 $0x1, s5  }
.LBB1_4:
0xe: {  	s16 =	sshll.u32 s13, $0x3;
	s17 =	sand.u32 $0x78, s13  }
0xf: {  	s30 =	sand.u32 $0x7E00, s13;
	s12 =	sshll.u32 s12, $0xF;
	s16 =	sand.u32 $0xC00, s16  }
0x10: {  	[tilespmem:s15+$0x810 ss:$0x81] =	vst.msk $0xffff, v2;
	s31 =	sand.u32 $0x7, s13;
	s16 =	sor.u32 s17, s16;
	s17 =	sadd.s32 s3, s30  }
0x11: {  	[tilespmem:s15+$0x1020 ss:$0x81] =	vst.msk $0xffff, v0;
	s13 =	sshll.u32 s31, $0x12;
	s12 =	sadd.s32 s12, s17;
	s16 =	sshrl.u32 s16, $0x3  }
0x12: {  	[tilespmem:s15+$0x0 ss:$0x81] =	vst.msk $0xffff, v1;
	s13 =	sor.u32 $0x400, s13;
	s12 =	sadd.s32 s16, s12  }
0x13: {  	[hbm4b:s12+s13] =	stream.strided.scatter [tilespmem:s14], [sflag:$0x2], $0x2000, s8, s13, $0x20;
	[tilespmem:$0x8080] =	vst v63  }
.LBB1_5:
0x14: {  	s14 =	sadd.s32 $0x1, s9  }
0x15: {  	s12 =	sadd.s32 $0x1000, s10;
	s16 =	smov.u32 s10;
	p2 =	sgt.s32 s14, $0xC7  }
0x16: {  	s16 =	smov.u32 @p2 s12  }
0x17: {  	s14 =	simm.s32 @p2 $0x0;
	p2 =	sgt.s32 s16, $0xFFF  }
0x18: {  	s16 =	smov.u32 @p2 s2;
	p2 =	sne.s32 s11, s7  }
.Ltmp1:
0x19: {  	p1 =	slt.u32 s11, $0x2;
	(pc) =	sbr.rel @!p2 .LBB1_6-.Ltmp1, $4  }
0x1a: {  	s15 =	simm.s32 @!p1 $0x2  }
0x1b: {  	s13 =	smov.u32 s10;
	p0 =	por !p0, !p0;
	_ =	swait.ge @!p1 [sflag:s15], $0x2000  }
0x1c: {  	s12 =	smov.u32 s9;
	[sflag:s15] =	ssyncset.done @!p1 $0x0;
	s9 =	smov.u32 s14  }
0x1d: {  	s11 =	sadd.s32 $0x1, s11;
	[sflag:s15] =	ssyncadd.s32 @!p1 $0xFFFFE000;
	s10 =	smov.u32 s16  }
.LBB1_1:
0x1e: {  	p1 =	sge.u32 s11, s5  }
0x1f: {  	s14 =	sand.u32 @!p1 $0x1FFFFFF, s9  }
0x20: {  	s15 =	smulhi.u32 @!p1 $0x147AE15, s14;
	_ =	sdelay $0x1  }
0x21: {  	s15 =	smul.u32 @!p1 $0xC8, s15  }
0x22: {  	s16 =	sxor.u32 @!p1 $0xFFFFFFFF, s11;
	s17 =	smul.u32 @!p1 $0xC80, s10  }
0x23: {  	s31 =	sadd.s32 $0xFFFFFFFF, s11;
	s16 =	sshll.u32 @!p1 s16, $0xD;
	s14 =	ssub.s32 @!p1 s14, s15  }
0x24: {  	s15 =	sand.u32 @!p1 $0x2000, s16;
	s16 =	sadd.s32 @!p1 s6, s17;
	s14 =	sshll.u32 @!p1 s14, $0x4  }
0x25: {  	s17 =	simm.s32 @!p1 $0x6400;
	s14 =	sadd.s32 @!p1 s14, s16;
	s16 =	simm.s32 @!p1 $0x40  }
0x26: {  	[tilespmem:s15], [sflag:$0x1] =	stream.strided.gather @!p1 [hbm4b:s14+s16], $0x2000, s17, s16, $0x38;
	[tilespmem:$0x8080] =	vst v63  }
0x27: {  	p1 =	sge.u32 s31, s5  }
.Ltmp2:
0x28: {  	_ = 	snop;
	(pc) =	sbr.rel @p1 .LBB1_5-.Ltmp2, $1  }
0x29: {  	_ =	sdelay $0x3  }
0x2a: {  	s14 =	simm.s32 $0x1  }
0x2b: {  	_ =	swait.ge [sflag:s4], $0x2000;
	s14 =	simm.s32 @!p0 $0x0  }
0x2c: {  	[sflag:s4] =	ssyncset.done $0x0;
	s15 =	sshll.u32 s14, $0xD  }
0x2d: {  	[sflag:s4] =	ssyncadd.s32 $0xFFFFE000;
	s18 =	sor.u32 $0x20, s15  }
0x2e: {  	s14 =	smul.u32 $0x8100, s14;
	v3 =	vld [tilespmem:s18+$0x10]  }
0x2f: {  	s30 =	sand.u32 $0x1, s11;
	v2 =	vld [tilespmem:s18+$0xFFFFFFF0]  }
0x30: {  	s15 =	smul.u32 $0x8100, s30;
	s14 =	sshrl.u32 s14, $0x2;
	v0 =	vld [tilespmem:s18+$0x0]  }
0x31: {  	v1 =	vld [tilespmem:s18+$0xFFFFFFE0];
	s16 =	sor.u32 $0x4000, s14  }
0x32: {  	s31 =	sshrl.u32 s15, $0x2;
	s15 =	sadd.s32 $0x0, s16  }
0x33: {  	s17 =	simm.s32 $0x4;
	s18 =	sadd.s32 $0x40, s18;
	s14 =	sor.u32 $0x4000, s31;
	[tilespmem:s15+$0x1830 ss:$0x81] =	vst.msk $0xffff, v3  }
.LBB1_3:
0x34: {  	v3 =	vld [tilespmem:s18+$0x10];
	p1 =	sne.s32 s17, $0x1FC;
	[tilespmem:s15+$0x810 ss:$0x81] =	vst.msk $0xffff, v2;
	s19 =	smov.u32 s17;
	s17 =	sadd.s32 $0x4, s17  }
.Ltmp3:
0x35: {  	v2 =	vld [tilespmem:s18+$0xFFFFFFF0];
	[tilespmem:s15+$0x1020 ss:$0x81] =	vst.msk $0xffff, v0;
	(pc) =	sbr.rel @p1 .LBB1_3-.Ltmp3, $4  }
0x36: {  	v0 =	vld [tilespmem:s18+$0x0];
	[tilespmem:s15+$0x0 ss:$0x81] =	vst.msk $0xffff, v1  }
0x37: {  	s15 =	sshra.s32 s19, $0x2;
	v1 =	vld [tilespmem:s18+$0xFFFFFFE0]  }
0x38: {  	s15 =	sadd.s32 s15, s16  }
0x39: {  	s18 =	sadd.s32 $0x40, s18;
	[tilespmem:s15+$0x1830 ss:$0x81] =	vst.msk $0xffff, v3  }
.Ltmp4:
0x3a: {  	_ = 	snop;
	(pc) =	sbr.rel .LBB1_4-.Ltmp4, $1  }
0x3b: {  	_ =	sdelay $0x3  }
.LBB1_6:
0x3c: {  	_ =	sfence.sel $0x180000  }
0x3d: {  	s2 =	simm.s32 $0x1;
	[bflag:$0x0] =	sbarrier.arrive $0xFFFF  }
0x3e: {  	s31 =	simm.s32 $0x2;
	[sflag:s2] =	ssyncpa.u1 $0x1  }
0x3f: {  	[sflag:s31] =	ssyncpa.u1 $0x1  }
0x40: {  	p0 =	sne.s32 s0, $0x0;
	_ =	strace $0x9000004A  }
0x41: {  	s0 =	sadd.s32 @!p0 $0x100000, s1;
	[bflag:$0x2] =	sbarrier.arrive $0xFFFF  }
0x42: {  	[sflag:s0] =	ssyncadd.tile.s32 @!p0 $0x1;
	_ =	shalt  }
.Lfunc_end1:
_tile_overlayer_lowered:
.L_overlay_start_2:
0x43: {  	(tag) =	ssettag $0x2  }
0x44: {  	s0 =	rddreg [dreg:$0x0];
	s2 =	stileid.u32  }
0x45: {  	s1 =	rddreg [dreg:$0x1];
	p0 =	sne.s32 s2, $0x0  }
0x46: {  	s3 =	rddreg [dreg:$0x2];
	[bflag:$0x3] =	sbarrier.arrive $0xFFFF;
	s2 =	simm.s32 @!p0 $0x1C01  }
0x47: {  	[timem:s3], [sflag:s2] =	dma.local @!p0 [hbm:s0], s1  }
0x48: {  	s0 =	simm.s32 @!p0 $0x1  }
0x49: {  	_ =	swait.ge @!p0 [sflag:s0], s1  }
0x4a: {  	s1 =	ssub.s32 @!p0 $0x0, s1;
	[sflag:s0] =	ssyncset.done @!p0 $0x0  }
0x4b: {  	[sflag:s0] =	ssyncadd.s32 @!p0 s1  }
0x4c: {  	[bflag:$0x3] =	sbarrier.arrive $0xFFFF  }
0x4d: {  	_ =	shalt  }

</sc_bundles>
